<compile_context>
chip_gen: v7x
topology: tpu7x:2x2x1
jax: 0.10.2.dev20260603
libtpu: 0.0.44.dev20260713+nightly
codegen_flags: <defaults>
</compile_context>

<pallas_src>
import functools

import jax
import jax.numpy as jnp
import numpy as np
from jax import lax
from jax.experimental import pallas as pl
from jax.experimental.pallas import tpu as pltpu
from jax.experimental.pallas import tpu_sc as plsc

_ROWS = 2097152
_BLK = 16384
_S = _BLK // 128
_NB = _ROWS // _BLK


def _build_cb_levels():
    cb = np.zeros((32, 4), dtype=np.float64)
    for i8 in range(32):
        if i8 < 2:
            x = [0.5 + i8] * 4
        elif i8 < 8:
            ibx = i8 >> 1
            if i8 & 1:
                x = [0.5] * 4
                x[0] = 1.5
                x[ibx] = 1.5
            else:
                x = [1.5] * 4
                x[0] = 0.5
                x[ibx] = 0.5
        elif i8 < 16:
            ibx = i8 & 3
            x = [0.5] * 4 if i8 < 12 else [1.5] * 4
            x[ibx] = 1.5 if i8 < 12 else 0.5
        elif i8 < 20:
            x = [0.5] * 4
            x[i8 & 3] = 2.5
        else:
            ibx = i8 - 20
            ib4 = ibx & 3
            ib3 = ibx >> 2
            x = [0.5] * 4
            x[ib4] = 1.5
            if ib3 >= ib4:
                ib3 += 1
            x[ib3] = 2.5
        cb[i8] = x
    return (cb - 0.5).astype(np.int64)


_L = _build_cb_levels()
_NRM = [float(((_L[p] + 0.5) ** 2).sum()) for p in range(32)]
_Q = [int(_L[p].sum() % 2) for p in range(32)]
_BMASK = (7, 2, 1, 0)


def _tc_body(x_ref, idx_ref):
    planes = [x_ref[j, 0].astype(jnp.float32) for j in range(4)]
    y = [jnp.abs(v) for v in planes]
    n = [v < 0.0 for v in planes]
    ni = [v.astype(jnp.int32) for v in n]
    bnat = (ni[0] << 2) | ((ni[1] ^ ni[0]) << 1) | (ni[2] ^ ni[0])
    pneg = (n[0] ^ n[1]) ^ (n[2] ^ n[3])
    fixq = (pneg, ~pneg)
    p2 = [(y[j], 3.0 * y[j], 5.0 * y[j]) for j in range(4)]
    keys = [tuple(lax.bitcast_convert_type(p2[j][l], jnp.int32)
                  | (bnat ^ _BMASK[j]) for l in range(3)) for j in range(4)]
    best_s = jnp.full((_S, 128), -jnp.inf, jnp.float32)
    best_k = jnp.zeros((_S, 128), jnp.int32)
    for p in range(32):
        l0, l1, l2, l3 = (int(v) for v in _L[p])
        s = ((p2[0][l0] + p2[1][l1]) + p2[2][l2]) + p2[3][l3]
        km = jnp.minimum(jnp.minimum(keys[0][l0], keys[1][l1]),
                         jnp.minimum(keys[2][l2], keys[3][l3]))
        upen = lax.bitcast_convert_type(km & -8, jnp.float32)
        sc = (s - jnp.where(fixq[_Q[p]], upen + upen, 0.0)) - _NRM[p]
        bw = jnp.where(fixq[_Q[p]], km & 7, bnat)
        key = (bw << 5) | p
        better = (sc > best_s) | ((sc == best_s) & (key < best_k))
        best_s = jnp.where(better, sc, best_s)
        best_k = jnp.where(better, key, best_k)
    idx_ref[0] = best_k


_NW = 32
_RPW = _ROWS // _NW
_CH = 4096
_NCH = _RPW // _CH


def _sc_gather_body(grid_ref, idx_ref, out_ref, gtab_v, idx_v, rows_v):
    wid = lax.axis_index("s") * 2 + lax.axis_index("c")
    base = wid * _RPW
    pltpu.sync_copy(grid_ref, gtab_v)
    iota = lax.iota(jnp.int32, 16)
    pos = [iota * 4 + j for j in range(4)]

    def chunk(g, carry):
        pltpu.sync_copy(idx_ref.at[pl.ds(base + g * _CH, _CH)], idx_v)

        def body(k, c):
            iv = idx_v[pl.ds(k * 16, 16)]
            a = iv * 4
            off = k * 64
            for j in range(4):
                vals = plsc.load_gather(gtab_v, [a + j])
                plsc.store_scatter(rows_v, [pos[j] + off], vals)
            return c

        lax.fori_loop(0, _CH // 16, body, 0)
        pltpu.sync_copy(rows_v, out_ref.at[pl.ds((base + g * _CH) * 4, _CH * 4)])
        return carry

    lax.fori_loop(0, _NCH, chunk, 0)


@functools.cache
def _make_sc_gather():
    return functools.partial(
        pl.kernel,
        mesh=plsc.VectorSubcoreMesh(core_axis_name="c", subcore_axis_name="s"),
        out_type=jax.ShapeDtypeStruct((_ROWS * 4,), jnp.float32),
        scratch_types=[
            pltpu.VMEM((1024,), jnp.float32),
            pltpu.VMEM((_CH,), jnp.int32),
            pltpu.VMEM((_CH * 4,), jnp.float32),
        ],
        compiler_params=pltpu.CompilerParams(needs_layout_passes=False),
    )(_sc_gather_body)


@jax.jit
def kernel(X, grid):
    xtb = X.T.astype(jnp.bfloat16).reshape(4, _NB, _S, 128)
    idx = pl.pallas_call(
        _tc_body,
        grid=(_NB,),
        in_specs=[pl.BlockSpec((4, 1, _S, 128), lambda i: (0, i, 0, 0))],
        out_specs=pl.BlockSpec((1, _S, 128), lambda i: (i, 0, 0)),
        out_shape=jax.ShapeDtypeStruct((_NB, _S, 128), jnp.int32),
        compiler_params=pltpu.CompilerParams(
            dimension_semantics=("arbitrary",),
        ),
    )(xtb)
    idx_flat = idx.reshape(-1)
    xq = _make_sc_gather()(grid.reshape(-1), idx_flat)
    return (xq.reshape(_ROWS, 4), idx_flat.astype(jnp.uint8))

# --- scband reference (transcript-rebuilt; emitter-appended) ---
"""Pipeline reference for scband-d4-codebook-8512625180848 (READ-ONLY COPY).

The authoritative reference and input builder live on the scoring server;
editing this copy changes nothing except your own understanding.
"""

import jax, jax.numpy as jnp
import numpy as np

_D4_CODESZ = 4

def code3_signs(i3, x):
    if i3 & 1 << 5:
        x[2] *= -1
    if i3 & 1 << 6:
        x[1] *= -1
    if sum(x) % 2 != 0:
        x[3] *= -1
    if i3 & 1 << 7:
        for j in range(_D4_CODESZ):
            x[j] *= -1
    assert sum(x) % 2 == 0
    return x

def code8_to_d4(i8):
    assert i8 >= 0 and i8 < 256
    i3 = i8 & 7 << 5
    i8 = i8 & 31
    if i8 < 16:
        if i8 < 8:
            if i8 < 2:
                if i8 < 1:
                    return code3_signs(i3, [0.5] * _D4_CODESZ)
                else:
                    return code3_signs(i3, [1.5] * _D4_CODESZ)
            else:
                ibx = i8 >> 1
                if i8 & 1:
                    x = [0.5] * _D4_CODESZ
                    x[0] = 1.5
                    x[ibx] = 1.5
                else:
                    x = [1.5] * _D4_CODESZ
                    x[0] = 0.5
                    x[ibx] = 0.5
                return code3_signs(i3, x)
        else:
            ibx = i8 & 3
            if i8 < 8 + 4:
                x = [0.5] * _D4_CODESZ
                x[ibx] = 1.5
            else:
                x = [1.5] * _D4_CODESZ
                x[ibx] = 0.5
            return code3_signs(i3, x)
    elif i8 < 16 + 4:
        ibx = i8 & 3
        x = [0.5] * _D4_CODESZ
        x[ibx] = 2.5
        return code3_signs(i3, x)
    else:
        ibx = i8 - 20
        ib4 = ibx & 3
        ib3 = ibx >> 2
        x = [0.5] * _D4_CODESZ
        x[ib4] = 1.5
        if ib3 >= ib4:
            ib3 += 1
        x[ib3] = 2.5
        return code3_signs(i3, x)

def build_D4_CB():
    CB = np.zeros((256, _D4_CODESZ), dtype=np.float32)
    for i in range(256):
        x = code8_to_d4(i)
        for j in range(_D4_CODESZ):
            CB[i, j] = x[j]
    return CB

def setup_inputs(seed: int = 0) -> dict:
    key = jax.random.key(seed)
    X = jax.random.normal(key, (2097152, _D4_CODESZ), dtype=jnp.float32)
    grid = jnp.asarray(build_D4_CB())
    return {"X": X, "grid": grid}

def reference(X, grid):
    # grid_norm = diag(grid @ grid.T)
    grid_norm = jnp.sum(grid * grid, axis=1)
    # nearest-codeword search: argmax(2 X G^T - ||g||^2)
    scores = 2.0 * (X @ grid.T) - grid_norm[None, :]
    Xqidx = jnp.argmax(scores, axis=1)
    Xq = jnp.take(grid, Xqidx, axis=0)
    return (Xq, Xqidx.astype(jnp.uint8))

if __name__ == "__main__":
    import jax
    _d = setup_inputs()
    print(jax.jit(kernel)(*tuple(_d.values())))

</pallas_src>

<mosaic_0001>
#map = affine_map<(d0, d1) -> (0)>
module attributes {stable_mosaic.version = 14 : i64} {
  func.func @_sc_gather_body(%arg0: i32, %arg1: i32, %arg2: memref<1024xf32, #tpu.memory_space<hbm>>, %arg3: memref<2097152xi32, #tpu.memory_space<hbm>>, %arg4: memref<8388608xf32, #tpu.memory_space<hbm>>, %arg5: memref<1024xf32, #tpu.memory_space<vmem>>, %arg6: memref<4096xi32, #tpu.memory_space<vmem>>, %arg7: memref<16384xf32, #tpu.memory_space<vmem>>) attributes {dimension_semantics = [#tpu.dimension_semantics<core_parallel>, #tpu.dimension_semantics<subcore_parallel>], iteration_bounds = array<i64: 2, 16>, scalar_prefetch = 0 : i64, scratch_operands = 3 : i64, tpu.core_type = #tpu.core_type<sc_vector_subcore>, window_params = [{transform_indices = #map}, {transform_indices = #map}, {transform_indices = #map}]} {
    %mul3A = arith.constant 2 : i32
    %mul3A_0 = arith.muli %arg1, %mul3A : i32
    %add3A = arith.addi %mul3A_0, %arg0 : i32
    %mul3A_1 = arith.constant 65536 : i32
    %mul3A_2 = arith.muli %add3A, %mul3A_1 : i32
    "tpu.region"() ({
      %run_scoped3A = tpu.sem_alloc : memref<!tpu.dma_semaphore, #tpu.memory_space<semaphore_mem>>
      tpu.enqueue_dma source(%arg2 : memref<1024xf32, #tpu.memory_space<hbm>>) target(%arg5 : memref<1024xf32, #tpu.memory_space<vmem>>) target_semaphore(%run_scoped3A : memref<!tpu.dma_semaphore, #tpu.memory_space<semaphore_mem>>)
      tpu.wait_dma2 semaphore(%run_scoped3A : memref<!tpu.dma_semaphore, #tpu.memory_space<semaphore_mem>>) src(%arg2 : memref<1024xf32, #tpu.memory_space<hbm>>) dst(%arg5 : memref<1024xf32, #tpu.memory_space<vmem>>)
      tpu.yield
    }) : () -> ()
    %iota3A = tpu.iota {dimensions = array<i32: 0>} : vector<16xi32>
    %mul3A_3 = arith.constant 4 : i32
    %mul3A_4 = vector.broadcast %mul3A_3 : i32 to vector<16xi32>
    %mul3A_5 = arith.muli %iota3A, %mul3A_4 : vector<16xi32>
    %add3A_6 = arith.constant 0 : i32
    %add3A_7 = vector.broadcast %add3A_6 : i32 to vector<16xi32>
    %add3A_8 = arith.addi %mul3A_5, %add3A_7 : vector<16xi32>
    %mul3A_9 = arith.constant 4 : i32
    %mul3A_10 = vector.broadcast %mul3A_9 : i32 to vector<16xi32>
    %mul3A_11 = arith.muli %iota3A, %mul3A_10 : vector<16xi32>
    %add3A_12 = arith.constant 1 : i32
    %add3A_13 = vector.broadcast %add3A_12 : i32 to vector<16xi32>
    %add3A_14 = arith.addi %mul3A_11, %add3A_13 : vector<16xi32>
    %mul3A_15 = arith.constant 4 : i32
    %mul3A_16 = vector.broadcast %mul3A_15 : i32 to vector<16xi32>
    %mul3A_17 = arith.muli %iota3A, %mul3A_16 : vector<16xi32>
    %add3A_18 = arith.constant 2 : i32
    %add3A_19 = vector.broadcast %add3A_18 : i32 to vector<16xi32>
    %add3A_20 = arith.addi %mul3A_17, %add3A_19 : vector<16xi32>
    %mul3A_21 = arith.constant 4 : i32
    %mul3A_22 = vector.broadcast %mul3A_21 : i32 to vector<16xi32>
    %mul3A_23 = arith.muli %iota3A, %mul3A_22 : vector<16xi32>
    %add3A_24 = arith.constant 3 : i32
    %add3A_25 = vector.broadcast %add3A_24 : i32 to vector<16xi32>
    %add3A_26 = arith.addi %mul3A_23, %add3A_25 : vector<16xi32>
    %scan3A = arith.constant 0 : i32
    %scan3A_27 = arith.constant 0 : i32
    %scan3A_28 = arith.constant 16 : i32
    %scan3A_29 = arith.addi %scan3A_27, %scan3A_28 : i32
    %scan3A_30 = arith.constant 1 : i32
    scf.for %scan3A_32 = %scan3A_27 to %scan3A_29 step %scan3A_30  : i32 {
      %mul3A_33 = arith.constant 4096 : i32
      %mul3A_34 = arith.muli %scan3A_32, %mul3A_33 : i32
      %add3A_35 = arith.addi %mul3A_2, %mul3A_34 : i32
      "tpu.region"() ({
        %run_scoped3A = tpu.sem_alloc : memref<!tpu.dma_semaphore, #tpu.memory_space<semaphore_mem>>
        %dma_start3A = tpu.memref_slice %arg3[%add3A_35] : memref<2097152xi32, #tpu.memory_space<hbm>> -> memref<4096xi32, #tpu.memory_space<hbm>>
        %dma_start3A_47 = tpu.memref_slice %arg3[%add3A_35] : memref<2097152xi32, #tpu.memory_space<hbm>> -> memref<4096xi32, #tpu.memory_space<hbm>>
        tpu.enqueue_dma source(%dma_start3A_47 : memref<4096xi32, #tpu.memory_space<hbm>>) target(%arg6 : memref<4096xi32, #tpu.memory_space<vmem>>) target_semaphore(%run_scoped3A : memref<!tpu.dma_semaphore, #tpu.memory_space<semaphore_mem>>)
        %dma_wait3A = tpu.memref_slice %arg3[%add3A_35] : memref<2097152xi32, #tpu.memory_space<hbm>> -> memref<4096xi32, #tpu.memory_space<hbm>>
        %dma_wait3A_48 = tpu.memref_slice %arg3[%add3A_35] : memref<2097152xi32, #tpu.memory_space<hbm>> -> memref<4096xi32, #tpu.memory_space<hbm>>
        tpu.wait_dma2 semaphore(%run_scoped3A : memref<!tpu.dma_semaphore, #tpu.memory_space<semaphore_mem>>) src(%dma_wait3A_48 : memref<4096xi32, #tpu.memory_space<hbm>>) dst(%arg6 : memref<4096xi32, #tpu.memory_space<vmem>>)
        tpu.yield
      }) : () -> ()
      %scan3A_36 = arith.constant 0 : i32
      %scan3A_37 = arith.constant 0 : i32
      %scan3A_38 = arith.constant 256 : i32
      %scan3A_39 = arith.addi %scan3A_37, %scan3A_38 : i32
      %scan3A_40 = arith.constant 1 : i32
      scf.for %scan3A_47 = %scan3A_37 to %scan3A_39 step %scan3A_40  : i32 {
        %mul3A_48 = arith.constant 16 : i32
        %mul3A_49 = arith.muli %scan3A_47, %mul3A_48 : i32
        %get3A = arith.index_cast %mul3A_49 : i32 to index
        %get3A_50 = tpu.vector_load %arg6[%get3A] {strides = array<i32>} : memref<4096xi32, #tpu.memory_space<vmem>>, vector<16xi32>,
        %mul3A_51 = arith.constant 4 : i32
        %mul3A_52 = vector.broadcast %mul3A_51 : i32 to vector<16xi32>
        %mul3A_53 = arith.muli %get3A_50, %mul3A_52 : vector<16xi32>
        %mul3A_54 = arith.constant 64 : i32
        %mul3A_55 = arith.muli %scan3A_47, %mul3A_54 : i32
        %add3A_56 = arith.constant 0 : i32
        %add3A_57 = vector.broadcast %add3A_56 : i32 to vector<16xi32>
        %add3A_58 = arith.addi %mul3A_53, %add3A_57 : vector<16xi32>
        %gather3A = tpu.vector_load_idx %arg5[%add3A_58] : memref<1024xf32, #tpu.memory_space<vmem>>[vector<16xi32>], vector<16xf32>,
        %add3A_59 = vector.broadcast %mul3A_55 : i32 to vector<16xi32>
        %add3A_60 = arith.addi %add3A_8, %add3A_59 : vector<16xi32>
        tpu.vector_store_idx %arg7[%add3A_60], %gather3A : memref<16384xf32, #tpu.memory_space<vmem>>[vector<16xi32>], vector<16xf32>,
        %add3A_61 = arith.constant 1 : i32
        %add3A_62 = vector.broadcast %add3A_61 : i32 to vector<16xi32>
        %add3A_63 = arith.addi %mul3A_53, %add3A_62 : vector<16xi32>
        %gather3A_64 = tpu.vector_load_idx %arg5[%add3A_63] : memref<1024xf32, #tpu.memory_space<vmem>>[vector<16xi32>], vector<16xf32>,
        %add3A_65 = vector.broadcast %mul3A_55 : i32 to vector<16xi32>
        %add3A_66 = arith.addi %add3A_14, %add3A_65 : vector<16xi32>
        tpu.vector_store_idx %arg7[%add3A_66], %gather3A_64 : memref<16384xf32, #tpu.memory_space<vmem>>[vector<16xi32>], vector<16xf32>,
        %add3A_67 = arith.constant 2 : i32
        %add3A_68 = vector.broadcast %add3A_67 : i32 to vector<16xi32>
        %add3A_69 = arith.addi %mul3A_53, %add3A_68 : vector<16xi32>
        %gather3A_70 = tpu.vector_load_idx %arg5[%add3A_69] : memref<1024xf32, #tpu.memory_space<vmem>>[vector<16xi32>], vector<16xf32>,
        %add3A_71 = vector.broadcast %mul3A_55 : i32 to vector<16xi32>
        %add3A_72 = arith.addi %add3A_20, %add3A_71 : vector<16xi32>
        tpu.vector_store_idx %arg7[%add3A_72], %gather3A_70 : memref<16384xf32, #tpu.memory_space<vmem>>[vector<16xi32>], vector<16xf32>,
        %add3A_73 = arith.constant 3 : i32
        %add3A_74 = vector.broadcast %add3A_73 : i32 to vector<16xi32>
        %add3A_75 = arith.addi %mul3A_53, %add3A_74 : vector<16xi32>
        %gather3A_76 = tpu.vector_load_idx %arg5[%add3A_75] : memref<1024xf32, #tpu.memory_space<vmem>>[vector<16xi32>], vector<16xf32>,
        %add3A_77 = vector.broadcast %mul3A_55 : i32 to vector<16xi32>
        %add3A_78 = arith.addi %add3A_26, %add3A_77 : vector<16xi32>
        tpu.vector_store_idx %arg7[%add3A_78], %gather3A_76 : memref<16384xf32, #tpu.memory_space<vmem>>[vector<16xi32>], vector<16xf32>,
      }
      %scan3A_41 = arith.constant 256 : i32
      %mul3A_42 = arith.constant 4096 : i32
      %mul3A_43 = arith.muli %scan3A_32, %mul3A_42 : i32
      %add3A_44 = arith.addi %mul3A_2, %mul3A_43 : i32
      %mul3A_45 = arith.constant 4 : i32
      %mul3A_46 = arith.muli %add3A_44, %mul3A_45 : i32
      "tpu.region"() ({
        %run_scoped3A = tpu.sem_alloc : memref<!tpu.dma_semaphore, #tpu.memory_space<semaphore_mem>>
        %dma_start3A = tpu.memref_slice %arg4[%mul3A_46] : memref<8388608xf32, #tpu.memory_space<hbm>> -> memref<16384xf32, #tpu.memory_space<hbm>>
        %dma_start3A_47 = tpu.memref_slice %arg4[%mul3A_46] : memref<8388608xf32, #tpu.memory_space<hbm>> -> memref<16384xf32, #tpu.memory_space<hbm>>
        tpu.enqueue_dma source(%arg7 : memref<16384xf32, #tpu.memory_space<vmem>>) target(%dma_start3A_47 : memref<16384xf32, #tpu.memory_space<hbm>>) target_semaphore(%run_scoped3A : memref<!tpu.dma_semaphore, #tpu.memory_space<semaphore_mem>>)
        %dma_wait3A = tpu.memref_slice %arg4[%mul3A_46] : memref<8388608xf32, #tpu.memory_space<hbm>> -> memref<16384xf32, #tpu.memory_space<hbm>>
        %dma_wait3A_48 = tpu.memref_slice %arg4[%mul3A_46] : memref<8388608xf32, #tpu.memory_space<hbm>> -> memref<16384xf32, #tpu.memory_space<hbm>>
        tpu.wait_dma2 semaphore(%run_scoped3A : memref<!tpu.dma_semaphore, #tpu.memory_space<semaphore_mem>>) src(%arg7 : memref<16384xf32, #tpu.memory_space<vmem>>) dst(%dma_wait3A_48 : memref<16384xf32, #tpu.memory_space<hbm>>)
        tpu.yield
      }) : () -> ()
    }
    %scan3A_31 = arith.constant 16 : i32
    return
  }
}

module attributes {stable_mosaic.version = 14 : i64} {
  func.func @_tc_body(%arg0: i32, %arg1: memref<4x1x128x128xbf16, #tpu.memory_space<vmem>>, %arg2: memref<1x128x128xi32, #tpu.memory_space<vmem>>) attributes {dimension_semantics = [#tpu.dimension_semantics<arbitrary>], iteration_bounds = array<i64: 128>, scalar_prefetch = 0 : i64, scratch_operands = 0 : i64, tpu.core_type = #tpu.core_type<tc>, window_params = [{transform_indices = @transform_0, window_bounds = array<i64: 4, 1, 128, 128>}, {transform_indices = @transform_1, window_bounds = array<i64: 1, 128, 128>}]} {
    %get3A = arith.constant 0 : index
    %get3A_0 = arith.constant 0 : index
    %get3A_1 = arith.constant 0 : index
    %get3A_2 = arith.constant 0 : index
    %get3A_3 = vector.load %arg1[%get3A, %get3A_0, %get3A_1, %get3A_2] : memref<4x1x128x128xbf16, #tpu.memory_space<vmem>>, vector<1x1x128x128xbf16>
    %get3A_4 = vector.shape_cast %get3A_3 : vector<1x1x128x128xbf16> to vector<128x128xbf16>
    %convert_element_type3A = arith.extf %get3A_4 : vector<128x128xbf16> to vector<128x128xf32>
    %get3A_5 = arith.constant 1 : index
    %get3A_6 = arith.constant 0 : index
    %get3A_7 = arith.constant 0 : index
    %get3A_8 = arith.constant 0 : index
    %get3A_9 = vector.load %arg1[%get3A_5, %get3A_6, %get3A_7, %get3A_8] : memref<4x1x128x128xbf16, #tpu.memory_space<vmem>>, vector<1x1x128x128xbf16>
    %get3A_10 = vector.shape_cast %get3A_9 : vector<1x1x128x128xbf16> to vector<128x128xbf16>
    %convert_element_type3A_11 = arith.extf %get3A_10 : vector<128x128xbf16> to vector<128x128xf32>
    %get3A_12 = arith.constant 2 : index
    %get3A_13 = arith.constant 0 : index
    %get3A_14 = arith.constant 0 : index
    %get3A_15 = arith.constant 0 : index
    %get3A_16 = vector.load %arg1[%get3A_12, %get3A_13, %get3A_14, %get3A_15] : memref<4x1x128x128xbf16, #tpu.memory_space<vmem>>, vector<1x1x128x128xbf16>
    %get3A_17 = vector.shape_cast %get3A_16 : vector<1x1x128x128xbf16> to vector<128x128xbf16>
    %convert_element_type3A_18 = arith.extf %get3A_17 : vector<128x128xbf16> to vector<128x128xf32>
    %get3A_19 = arith.constant 3 : index
    %get3A_20 = arith.constant 0 : index
    %get3A_21 = arith.constant 0 : index
    %get3A_22 = arith.constant 0 : index
    %get3A_23 = vector.load %arg1[%get3A_19, %get3A_20, %get3A_21, %get3A_22] : memref<4x1x128x128xbf16, #tpu.memory_space<vmem>>, vector<1x1x128x128xbf16>
    %get3A_24 = vector.shape_cast %get3A_23 : vector<1x1x128x128xbf16> to vector<128x128xbf16>
    %convert_element_type3A_25 = arith.extf %get3A_24 : vector<128x128xbf16> to vector<128x128xf32>
    %abs3A = math.absf %convert_element_type3A : vector<128x128xf32>
    %abs3A_26 = math.absf %convert_element_type3A_11 : vector<128x128xf32>
    %abs3A_27 = math.absf %convert_element_type3A_18 : vector<128x128xf32>
    %abs3A_28 = math.absf %convert_element_type3A_25 : vector<128x128xf32>
    %lt3A = arith.constant 0.000000e+00 : f32
    %lt3A_29 = vector.broadcast %lt3A : f32 to vector<128x128xf32>
    %lt3A_30 = arith.cmpf olt, %convert_element_type3A, %lt3A_29 : vector<128x128xf32>
    %lt3A_31 = arith.constant 0.000000e+00 : f32
    %lt3A_32 = vector.broadcast %lt3A_31 : f32 to vector<128x128xf32>
    %lt3A_33 = arith.cmpf olt, %convert_element_type3A_11, %lt3A_32 : vector<128x128xf32>
    %lt3A_34 = arith.constant 0.000000e+00 : f32
    %lt3A_35 = vector.broadcast %lt3A_34 : f32 to vector<128x128xf32>
    %lt3A_36 = arith.cmpf olt, %convert_element_type3A_18, %lt3A_35 : vector<128x128xf32>
    %lt3A_37 = arith.constant 0.000000e+00 : f32
    %lt3A_38 = vector.broadcast %lt3A_37 : f32 to vector<128x128xf32>
    %lt3A_39 = arith.cmpf olt, %convert_element_type3A_25, %lt3A_38 : vector<128x128xf32>
    %convert_element_type3A_40 = arith.extui %lt3A_30 : vector<128x128xi1> to vector<128x128xi32>
    %convert_element_type3A_41 = arith.extui %lt3A_33 : vector<128x128xi1> to vector<128x128xi32>
    %convert_element_type3A_42 = arith.extui %lt3A_36 : vector<128x128xi1> to vector<128x128xi32>
    %shift_left3A = arith.constant 2 : i32
    %shift_left3A_43 = vector.broadcast %shift_left3A : i32 to vector<128x128xi32>
    %shift_left3A_44 = arith.shli %convert_element_type3A_40, %shift_left3A_43 : vector<128x128xi32>
    %xor3A = arith.xori %convert_element_type3A_41, %convert_element_type3A_40 : vector<128x128xi32>
    %shift_left3A_45 = arith.constant 1 : i32
    %shift_left3A_46 = vector.broadcast %shift_left3A_45 : i32 to vector<128x128xi32>
    %shift_left3A_47 = arith.shli %xor3A, %shift_left3A_46 : vector<128x128xi32>
    %or3A = arith.ori %shift_left3A_44, %shift_left3A_47 : vector<128x128xi32>
    %xor3A_48 = arith.xori %convert_element_type3A_42, %convert_element_type3A_40 : vector<128x128xi32>
    %or3A_49 = arith.ori %or3A, %xor3A_48 : vector<128x128xi32>
    %xor3A_50 = arith.xori %lt3A_30, %lt3A_33 : vector<128x128xi1>
    %xor3A_51 = arith.xori %lt3A_36, %lt3A_39 : vector<128x128xi1>
    %xor3A_52 = arith.xori %xor3A_50, %xor3A_51 : vector<128x128xi1>
    %not3A = arith.constant dense<true> : vector<128x128xi1>
    %not3A_53 = arith.xori %xor3A_52, %not3A : vector<128x128xi1>
    %mul3A = arith.constant 3.000000e+00 : f32
    %mul3A_54 = vector.broadcast %mul3A : f32 to vector<128x128xf32>
    %mul3A_55 = arith.mulf %mul3A_54, %abs3A : vector<128x128xf32>
    %mul3A_56 = arith.constant 5.000000e+00 : f32
    %mul3A_57 = vector.broadcast %mul3A_56 : f32 to vector<128x128xf32>
    %mul3A_58 = arith.mulf %mul3A_57, %abs3A : vector<128x128xf32>
    %mul3A_59 = arith.constant 3.000000e+00 : f32
    %mul3A_60 = vector.broadcast %mul3A_59 : f32 to vector<128x128xf32>
    %mul3A_61 = arith.mulf %mul3A_60, %abs3A_26 : vector<128x128xf32>
    %mul3A_62 = arith.constant 5.000000e+00 : f32
    %mul3A_63 = vector.broadcast %mul3A_62 : f32 to vector<128x128xf32>
    %mul3A_64 = arith.mulf %mul3A_63, %abs3A_26 : vector<128x128xf32>
    %mul3A_65 = arith.constant 3.000000e+00 : f32
    %mul3A_66 = vector.broadcast %mul3A_65 : f32 to vector<128x128xf32>
    %mul3A_67 = arith.mulf %mul3A_66, %abs3A_27 : vector<128x128xf32>
    %mul3A_68 = arith.constant 5.000000e+00 : f32
    %mul3A_69 = vector.broadcast %mul3A_68 : f32 to vector<128x128xf32>
    %mul3A_70 = arith.mulf %mul3A_69, %abs3A_27 : vector<128x128xf32>
    %mul3A_71 = arith.constant 3.000000e+00 : f32
    %mul3A_72 = vector.broadcast %mul3A_71 : f32 to vector<128x128xf32>
    %mul3A_73 = arith.mulf %mul3A_72, %abs3A_28 : vector<128x128xf32>
    %mul3A_74 = arith.constant 5.000000e+00 : f32
    %mul3A_75 = vector.broadcast %mul3A_74 : f32 to vector<128x128xf32>
    %mul3A_76 = arith.mulf %mul3A_75, %abs3A_28 : vector<128x128xf32>
    %bitcast_convert_type3A = tpu.bitcast %abs3A : vector<128x128xf32> -> vector<128x128xi32>
    %xor3A_77 = arith.constant 7 : i32
    %xor3A_78 = vector.broadcast %xor3A_77 : i32 to vector<128x128xi32>
    %xor3A_79 = arith.xori %or3A_49, %xor3A_78 : vector<128x128xi32>
    %or3A_80 = arith.ori %bitcast_convert_type3A, %xor3A_79 : vector<128x128xi32>
    %bitcast_convert_type3A_81 = tpu.bitcast %mul3A_55 : vector<128x128xf32> -> vector<128x128xi32>
    %xor3A_82 = arith.constant 7 : i32
    %xor3A_83 = vector.broadcast %xor3A_82 : i32 to vector<128x128xi32>
    %xor3A_84 = arith.xori %or3A_49, %xor3A_83 : vector<128x128xi32>
    %or3A_85 = arith.ori %bitcast_convert_type3A_81, %xor3A_84 : vector<128x128xi32>
    %bitcast_convert_type3A_86 = tpu.bitcast %mul3A_58 : vector<128x128xf32> -> vector<128x128xi32>
    %xor3A_87 = arith.constant 7 : i32
    %xor3A_88 = vector.broadcast %xor3A_87 : i32 to vector<128x128xi32>
    %xor3A_89 = arith.xori %or3A_49, %xor3A_88 : vector<128x128xi32>
    %or3A_90 = arith.ori %bitcast_convert_type3A_86, %xor3A_89 : vector<128x128xi32>
    %bitcast_convert_type3A_91 = tpu.bitcast %abs3A_26 : vector<128x128xf32> -> vector<128x128xi32>
    %xor3A_92 = arith.constant 2 : i32
    %xor3A_93 = vector.broadcast %xor3A_92 : i32 to vector<128x128xi32>
    %xor3A_94 = arith.xori %or3A_49, %xor3A_93 : vector<128x128xi32>
    %or3A_95 = arith.ori %bitcast_convert_type3A_91, %xor3A_94 : vector<128x128xi32>
    %bitcast_convert_type3A_96 = tpu.bitcast %mul3A_61 : vector<128x128xf32> -> vector<128x128xi32>
    %xor3A_97 = arith.constant 2 : i32
    %xor3A_98 = vector.broadcast %xor3A_97 : i32 to vector<128x128xi32>
    %xor3A_99 = arith.xori %or3A_49, %xor3A_98 : vector<128x128xi32>
    %or3A_100 = arith.ori %bitcast_convert_type3A_96, %xor3A_99 : vector<128x128xi32>
    %bitcast_convert_type3A_101 = tpu.bitcast %mul3A_64 : vector<128x128xf32> -> vector<128x128xi32>
    %xor3A_102 = arith.constant 2 : i32
    %xor3A_103 = vector.broadcast %xor3A_102 : i32 to vector<128x128xi32>
    %xor3A_104 = arith.xori %or3A_49, %xor3A_103 : vector<128x128xi32>
    %or3A_105 = arith.ori %bitcast_convert_type3A_101, %xor3A_104 : vector<128x128xi32>
    %bitcast_convert_type3A_106 = tpu.bitcast %abs3A_27 : vector<128x128xf32> -> vector<128x128xi32>
    %xor3A_107 = arith.constant 1 : i32
    %xor3A_108 = vector.broadcast %xor3A_107 : i32 to vector<128x128xi32>
    %xor3A_109 = arith.xori %or3A_49, %xor3A_108 : vector<128x128xi32>
    %or3A_110 = arith.ori %bitcast_convert_type3A_106, %xor3A_109 : vector<128x128xi32>
    %bitcast_convert_type3A_111 = tpu.bitcast %mul3A_67 : vector<128x128xf32> -> vector<128x128xi32>
    %xor3A_112 = arith.constant 1 : i32
    %xor3A_113 = vector.broadcast %xor3A_112 : i32 to vector<128x128xi32>
    %xor3A_114 = arith.xori %or3A_49, %xor3A_113 : vector<128x128xi32>
    %or3A_115 = arith.ori %bitcast_convert_type3A_111, %xor3A_114 : vector<128x128xi32>
    %bitcast_convert_type3A_116 = tpu.bitcast %mul3A_70 : vector<128x128xf32> -> vector<128x128xi32>
    %xor3A_117 = arith.constant 1 : i32
    %xor3A_118 = vector.broadcast %xor3A_117 : i32 to vector<128x128xi32>
    %xor3A_119 = arith.xori %or3A_49, %xor3A_118 : vector<128x128xi32>
    %or3A_120 = arith.ori %bitcast_convert_type3A_116, %xor3A_119 : vector<128x128xi32>
    %bitcast_convert_type3A_121 = tpu.bitcast %abs3A_28 : vector<128x128xf32> -> vector<128x128xi32>
    %xor3A_122 = arith.constant 0 : i32
    %xor3A_123 = vector.broadcast %xor3A_122 : i32 to vector<128x128xi32>
    %xor3A_124 = arith.xori %or3A_49, %xor3A_123 : vector<128x128xi32>
    %or3A_125 = arith.ori %bitcast_convert_type3A_121, %xor3A_124 : vector<128x128xi32>
    %bitcast_convert_type3A_126 = tpu.bitcast %mul3A_73 : vector<128x128xf32> -> vector<128x128xi32>
    %xor3A_127 = arith.constant 0 : i32
    %xor3A_128 = vector.broadcast %xor3A_127 : i32 to vector<128x128xi32>
    %xor3A_129 = arith.xori %or3A_49, %xor3A_128 : vector<128x128xi32>
    %or3A_130 = arith.ori %bitcast_convert_type3A_126, %xor3A_129 : vector<128x128xi32>
    %bitcast_convert_type3A_131 = tpu.bitcast %mul3A_76 : vector<128x128xf32> -> vector<128x128xi32>
    %xor3A_132 = arith.constant 0 : i32
    %xor3A_133 = vector.broadcast %xor3A_132 : i32 to vector<128x128xi32>
    %xor3A_134 = arith.xori %or3A_49, %xor3A_133 : vector<128x128xi32>
    %or3A_135 = arith.ori %bitcast_convert_type3A_131, %xor3A_134 : vector<128x128xi32>
    %broadcast_in_dim3A = arith.constant 0xFF800000 : f32
    %broadcast_in_dim3A_136 = vector.broadcast %broadcast_in_dim3A : f32 to vector<128x128xf32>
    %broadcast_in_dim3A_137 = arith.constant 0 : i32
    %broadcast_in_dim3A_138 = vector.broadcast %broadcast_in_dim3A_137 : i32 to vector<128x128xi32>
    %add3A = arith.addf %abs3A, %abs3A_26 : vector<128x128xf32>
    %add3A_139 = arith.addf %add3A, %abs3A_27 : vector<128x128xf32>
    %add3A_140 = arith.addf %add3A_139, %abs3A_28 : vector<128x128xf32>
    %min3A = arith.minsi %or3A_80, %or3A_95 : vector<128x128xi32>
    %min3A_141 = arith.minsi %or3A_110, %or3A_125 : vector<128x128xi32>
    %min3A_142 = arith.minsi %min3A, %min3A_141 : vector<128x128xi32>
    %and3A = arith.constant -8 : i32
    %and3A_143 = vector.broadcast %and3A : i32 to vector<128x128xi32>
    %and3A_144 = arith.andi %min3A_142, %and3A_143 : vector<128x128xi32>
    %bitcast_convert_type3A_145 = tpu.bitcast %and3A_144 : vector<128x128xi32> -> vector<128x128xf32>
    %add3A_146 = arith.addf %bitcast_convert_type3A_145, %bitcast_convert_type3A_145 : vector<128x128xf32>
    %jit3A = arith.constant 0.000000e+00 : f32
    %broadcast_in_dim3A_147 = vector.broadcast %jit3A : f32 to vector<128x128xf32>
    %select_n3A = arith.select %xor3A_52, %add3A_146, %broadcast_in_dim3A_147 : vector<128x128xi1>, vector<128x128xf32>
    %sub3A = arith.subf %add3A_140, %select_n3A : vector<128x128xf32>
    %sub3A_148 = arith.constant 1.000000e+00 : f32
    %sub3A_149 = vector.broadcast %sub3A_148 : f32 to vector<128x128xf32>
    %sub3A_150 = arith.subf %sub3A, %sub3A_149 : vector<128x128xf32>
    %and3A_151 = arith.constant 7 : i32
    %and3A_152 = vector.broadcast %and3A_151 : i32 to vector<128x128xi32>
    %and3A_153 = arith.andi %min3A_142, %and3A_152 : vector<128x128xi32>
    %select_n3A_154 = arith.select %xor3A_52, %and3A_153, %or3A_49 : vector<128x128xi1>, vector<128x128xi32>
    %shift_left3A_155 = arith.constant 5 : i32
    %shift_left3A_156 = vector.broadcast %shift_left3A_155 : i32 to vector<128x128xi32>
    %shift_left3A_157 = arith.shli %select_n3A_154, %shift_left3A_156 : vector<128x128xi32>
    %or3A_158 = arith.constant 0 : i32
    %or3A_159 = vector.broadcast %or3A_158 : i32 to vector<128x128xi32>
    %or3A_160 = arith.ori %shift_left3A_157, %or3A_159 : vector<128x128xi32>
    %gt3A = arith.cmpf ogt, %sub3A_150, %broadcast_in_dim3A_136 : vector<128x128xf32>
    %eq3A = arith.cmpf oeq, %sub3A_150, %broadcast_in_dim3A_136 : vector<128x128xf32>
    %lt3A_161 = arith.cmpi slt, %or3A_160, %broadcast_in_dim3A_138 : vector<128x128xi32>
    %and3A_162 = arith.andi %eq3A, %lt3A_161 : vector<128x128xi1>
    %or3A_163 = arith.ori %gt3A, %and3A_162 : vector<128x128xi1>
    %select_n3A_164 = arith.select %or3A_163, %sub3A_150, %broadcast_in_dim3A_136 : vector<128x128xi1>, vector<128x128xf32>
    %select_n3A_165 = arith.select %or3A_163, %or3A_160, %broadcast_in_dim3A_138 : vector<128x128xi1>, vector<128x128xi32>
    %add3A_166 = arith.addf %mul3A_55, %mul3A_61 : vector<128x128xf32>
    %add3A_167 = arith.addf %add3A_166, %mul3A_67 : vector<128x128xf32>
    %add3A_168 = arith.addf %add3A_167, %mul3A_73 : vector<128x128xf32>
    %min3A_169 = arith.minsi %or3A_85, %or3A_100 : vector<128x128xi32>
    %min3A_170 = arith.minsi %or3A_115, %or3A_130 : vector<128x128xi32>
    %min3A_171 = arith.minsi %min3A_169, %min3A_170 : vector<128x128xi32>
    %and3A_172 = arith.constant -8 : i32
    %and3A_173 = vector.broadcast %and3A_172 : i32 to vector<128x128xi32>
    %and3A_174 = arith.andi %min3A_171, %and3A_173 : vector<128x128xi32>
    %bitcast_convert_type3A_175 = tpu.bitcast %and3A_174 : vector<128x128xi32> -> vector<128x128xf32>
    %add3A_176 = arith.addf %bitcast_convert_type3A_175, %bitcast_convert_type3A_175 : vector<128x128xf32>
    %jit3A_177 = arith.constant 0.000000e+00 : f32
    %broadcast_in_dim3A_178 = vector.broadcast %jit3A_177 : f32 to vector<128x128xf32>
    %select_n3A_179 = arith.select %xor3A_52, %add3A_176, %broadcast_in_dim3A_178 : vector<128x128xi1>, vector<128x128xf32>
    %sub3A_180 = arith.subf %add3A_168, %select_n3A_179 : vector<128x128xf32>
    %sub3A_181 = arith.constant 9.000000e+00 : f32
    %sub3A_182 = vector.broadcast %sub3A_181 : f32 to vector<128x128xf32>
    %sub3A_183 = arith.subf %sub3A_180, %sub3A_182 : vector<128x128xf32>
    %and3A_184 = arith.constant 7 : i32
    %and3A_185 = vector.broadcast %and3A_184 : i32 to vector<128x128xi32>
    %and3A_186 = arith.andi %min3A_171, %and3A_185 : vector<128x128xi32>
    %select_n3A_187 = arith.select %xor3A_52, %and3A_186, %or3A_49 : vector<128x128xi1>, vector<128x128xi32>
    %shift_left3A_188 = arith.constant 5 : i32
    %shift_left3A_189 = vector.broadcast %shift_left3A_188 : i32 to vector<128x128xi32>
    %shift_left3A_190 = arith.shli %select_n3A_187, %shift_left3A_189 : vector<128x128xi32>
    %or3A_191 = arith.constant 1 : i32
    %or3A_192 = vector.broadcast %or3A_191 : i32 to vector<128x128xi32>
    %or3A_193 = arith.ori %shift_left3A_190, %or3A_192 : vector<128x128xi32>
    %gt3A_194 = arith.cmpf ogt, %sub3A_183, %select_n3A_164 : vector<128x128xf32>
    %eq3A_195 = arith.cmpf oeq, %sub3A_183, %select_n3A_164 : vector<128x128xf32>
    %lt3A_196 = arith.cmpi slt, %or3A_193, %select_n3A_165 : vector<128x128xi32>
    %and3A_197 = arith.andi %eq3A_195, %lt3A_196 : vector<128x128xi1>
    %or3A_198 = arith.ori %gt3A_194, %and3A_197 : vector<128x128xi1>
    %select_n3A_199 = arith.select %or3A_198, %sub3A_183, %select_n3A_164 : vector<128x128xi1>, vector<128x128xf32>
    %select_n3A_200 = arith.select %or3A_198, %or3A_193, %select_n3A_165 : vector<128x128xi1>, vector<128x128xi32>
    %add3A_201 = arith.addf %abs3A, %abs3A_26 : vector<128x128xf32>
    %add3A_202 = arith.addf %add3A_201, %mul3A_67 : vector<128x128xf32>
    %add3A_203 = arith.addf %add3A_202, %mul3A_73 : vector<128x128xf32>
    %min3A_204 = arith.minsi %or3A_80, %or3A_95 : vector<128x128xi32>
    %min3A_205 = arith.minsi %or3A_115, %or3A_130 : vector<128x128xi32>
    %min3A_206 = arith.minsi %min3A_204, %min3A_205 : vector<128x128xi32>
    %and3A_207 = arith.constant -8 : i32
    %and3A_208 = vector.broadcast %and3A_207 : i32 to vector<128x128xi32>
    %and3A_209 = arith.andi %min3A_206, %and3A_208 : vector<128x128xi32>
    %bitcast_convert_type3A_210 = tpu.bitcast %and3A_209 : vector<128x128xi32> -> vector<128x128xf32>
    %add3A_211 = arith.addf %bitcast_convert_type3A_210, %bitcast_convert_type3A_210 : vector<128x128xf32>
    %jit3A_212 = arith.constant 0.000000e+00 : f32
    %broadcast_in_dim3A_213 = vector.broadcast %jit3A_212 : f32 to vector<128x128xf32>
    %select_n3A_214 = arith.select %xor3A_52, %add3A_211, %broadcast_in_dim3A_213 : vector<128x128xi1>, vector<128x128xf32>
    %sub3A_215 = arith.subf %add3A_203, %select_n3A_214 : vector<128x128xf32>
    %sub3A_216 = arith.constant 5.000000e+00 : f32
    %sub3A_217 = vector.broadcast %sub3A_216 : f32 to vector<128x128xf32>
    %sub3A_218 = arith.subf %sub3A_215, %sub3A_217 : vector<128x128xf32>
    %and3A_219 = arith.constant 7 : i32
    %and3A_220 = vector.broadcast %and3A_219 : i32 to vector<128x128xi32>
    %and3A_221 = arith.andi %min3A_206, %and3A_220 : vector<128x128xi32>
    %select_n3A_222 = arith.select %xor3A_52, %and3A_221, %or3A_49 : vector<128x128xi1>, vector<128x128xi32>
    %shift_left3A_223 = arith.constant 5 : i32
    %shift_left3A_224 = vector.broadcast %shift_left3A_223 : i32 to vector<128x128xi32>
    %shift_left3A_225 = arith.shli %select_n3A_222, %shift_left3A_224 : vector<128x128xi32>
    %or3A_226 = arith.constant 2 : i32
    %or3A_227 = vector.broadcast %or3A_226 : i32 to vector<128x128xi32>
    %or3A_228 = arith.ori %shift_left3A_225, %or3A_227 : vector<128x128xi32>
    %gt3A_229 = arith.cmpf ogt, %sub3A_218, %select_n3A_199 : vector<128x128xf32>
    %eq3A_230 = arith.cmpf oeq, %sub3A_218, %select_n3A_199 : vector<128x128xf32>
    %lt3A_231 = arith.cmpi slt, %or3A_228, %select_n3A_200 : vector<128x128xi32>
    %and3A_232 = arith.andi %eq3A_230, %lt3A_231 : vector<128x128xi1>
    %or3A_233 = arith.ori %gt3A_229, %and3A_232 : vector<128x128xi1>
    %select_n3A_234 = arith.select %or3A_233, %sub3A_218, %select_n3A_199 : vector<128x128xi1>, vector<128x128xf32>
    %select_n3A_235 = arith.select %or3A_233, %or3A_228, %select_n3A_200 : vector<128x128xi1>, vector<128x128xi32>
    %add3A_236 = arith.addf %mul3A_55, %mul3A_61 : vector<128x128xf32>
    %add3A_237 = arith.addf %add3A_236, %abs3A_27 : vector<128x128xf32>
    %add3A_238 = arith.addf %add3A_237, %abs3A_28 : vector<128x128xf32>
    %min3A_239 = arith.minsi %or3A_85, %or3A_100 : vector<128x128xi32>
    %min3A_240 = arith.minsi %or3A_110, %or3A_125 : vector<128x128xi32>
    %min3A_241 = arith.minsi %min3A_239, %min3A_240 : vector<128x128xi32>
    %and3A_242 = arith.constant -8 : i32
    %and3A_243 = vector.broadcast %and3A_242 : i32 to vector<128x128xi32>
    %and3A_244 = arith.andi %min3A_241, %and3A_243 : vector<128x128xi32>
    %bitcast_convert_type3A_245 = tpu.bitcast %and3A_244 : vector<128x128xi32> -> vector<128x128xf32>
    %add3A_246 = arith.addf %bitcast_convert_type3A_245, %bitcast_convert_type3A_245 : vector<128x128xf32>
    %jit3A_247 = arith.constant 0.000000e+00 : f32
    %broadcast_in_dim3A_248 = vector.broadcast %jit3A_247 : f32 to vector<128x128xf32>
    %select_n3A_249 = arith.select %xor3A_52, %add3A_246, %broadcast_in_dim3A_248 : vector<128x128xi1>, vector<128x128xf32>
    %sub3A_250 = arith.subf %add3A_238, %select_n3A_249 : vector<128x128xf32>
    %sub3A_251 = arith.constant 5.000000e+00 : f32
    %sub3A_252 = vector.broadcast %sub3A_251 : f32 to vector<128x128xf32>
    %sub3A_253 = arith.subf %sub3A_250, %sub3A_252 : vector<128x128xf32>
    %and3A_254 = arith.constant 7 : i32
    %and3A_255 = vector.broadcast %and3A_254 : i32 to vector<128x128xi32>
    %and3A_256 = arith.andi %min3A_241, %and3A_255 : vector<128x128xi32>
    %select_n3A_257 = arith.select %xor3A_52, %and3A_256, %or3A_49 : vector<128x128xi1>, vector<128x128xi32>
    %shift_left3A_258 = arith.constant 5 : i32
    %shift_left3A_259 = vector.broadcast %shift_left3A_258 : i32 to vector<128x128xi32>
    %shift_left3A_260 = arith.shli %select_n3A_257, %shift_left3A_259 : vector<128x128xi32>
    %or3A_261 = arith.constant 3 : i32
    %or3A_262 = vector.broadcast %or3A_261 : i32 to vector<128x128xi32>
    %or3A_263 = arith.ori %shift_left3A_260, %or3A_262 : vector<128x128xi32>
    %gt3A_264 = arith.cmpf ogt, %sub3A_253, %select_n3A_234 : vector<128x128xf32>
    %eq3A_265 = arith.cmpf oeq, %sub3A_253, %select_n3A_234 : vector<128x128xf32>
    %lt3A_266 = arith.cmpi slt, %or3A_263, %select_n3A_235 : vector<128x128xi32>
    %and3A_267 = arith.andi %eq3A_265, %lt3A_266 : vector<128x128xi1>
    %or3A_268 = arith.ori %gt3A_264, %and3A_267 : vector<128x128xi1>
    %select_n3A_269 = arith.select %or3A_268, %sub3A_253, %select_n3A_234 : vector<128x128xi1>, vector<128x128xf32>
    %select_n3A_270 = arith.select %or3A_268, %or3A_263, %select_n3A_235 : vector<128x128xi1>, vector<128x128xi32>
    %add3A_271 = arith.addf %abs3A, %mul3A_61 : vector<128x128xf32>
    %add3A_272 = arith.addf %add3A_271, %abs3A_27 : vector<128x128xf32>
    %add3A_273 = arith.addf %add3A_272, %mul3A_73 : vector<128x128xf32>
    %min3A_274 = arith.minsi %or3A_80, %or3A_100 : vector<128x128xi32>
    %min3A_275 = arith.minsi %or3A_110, %or3A_130 : vector<128x128xi32>
    %min3A_276 = arith.minsi %min3A_274, %min3A_275 : vector<128x128xi32>
    %and3A_277 = arith.constant -8 : i32
    %and3A_278 = vector.broadcast %and3A_277 : i32 to vector<128x128xi32>
    %and3A_279 = arith.andi %min3A_276, %and3A_278 : vector<128x128xi32>
    %bitcast_convert_type3A_280 = tpu.bitcast %and3A_279 : vector<128x128xi32> -> vector<128x128xf32>
    %add3A_281 = arith.addf %bitcast_convert_type3A_280, %bitcast_convert_type3A_280 : vector<128x128xf32>
    %jit3A_282 = arith.constant 0.000000e+00 : f32
    %broadcast_in_dim3A_283 = vector.broadcast %jit3A_282 : f32 to vector<128x128xf32>
    %select_n3A_284 = arith.select %xor3A_52, %add3A_281, %broadcast_in_dim3A_283 : vector<128x128xi1>, vector<128x128xf32>
    %sub3A_285 = arith.subf %add3A_273, %select_n3A_284 : vector<128x128xf32>
    %sub3A_286 = arith.constant 5.000000e+00 : f32
    %sub3A_287 = vector.broadcast %sub3A_286 : f32 to vector<128x128xf32>
    %sub3A_288 = arith.subf %sub3A_285, %sub3A_287 : vector<128x128xf32>
    %and3A_289 = arith.constant 7 : i32
    %and3A_290 = vector.broadcast %and3A_289 : i32 to vector<128x128xi32>
    %and3A_291 = arith.andi %min3A_276, %and3A_290 : vector<128x128xi32>
    %select_n3A_292 = arith.select %xor3A_52, %and3A_291, %or3A_49 : vector<128x128xi1>, vector<128x128xi32>
    %shift_left3A_293 = arith.constant 5 : i32
    %shift_left3A_294 = vector.broadcast %shift_left3A_293 : i32 to vector<128x128xi32>
    %shift_left3A_295 = arith.shli %select_n3A_292, %shift_left3A_294 : vector<128x128xi32>
    %or3A_296 = arith.constant 4 : i32
    %or3A_297 = vector.broadcast %or3A_296 : i32 to vector<128x128xi32>
    %or3A_298 = arith.ori %shift_left3A_295, %or3A_297 : vector<128x128xi32>
    %gt3A_299 = arith.cmpf ogt, %sub3A_288, %select_n3A_269 : vector<128x128xf32>
    %eq3A_300 = arith.cmpf oeq, %sub3A_288, %select_n3A_269 : vector<128x128xf32>
    %lt3A_301 = arith.cmpi slt, %or3A_298, %select_n3A_270 : vector<128x128xi32>
    %and3A_302 = arith.andi %eq3A_300, %lt3A_301 : vector<128x128xi1>
    %or3A_303 = arith.ori %gt3A_299, %and3A_302 : vector<128x128xi1>
    %select_n3A_304 = arith.select %or3A_303, %sub3A_288, %select_n3A_269 : vector<128x128xi1>, vector<128x128xf32>
    %select_n3A_305 = arith.select %or3A_303, %or3A_298, %select_n3A_270 : vector<128x128xi1>, vector<128x128xi32>
    %add3A_306 = arith.addf %mul3A_55, %abs3A_26 : vector<128x128xf32>
    %add3A_307 = arith.addf %add3A_306, %mul3A_67 : vector<128x128xf32>
    %add3A_308 = arith.addf %add3A_307, %abs3A_28 : vector<128x128xf32>
    %min3A_309 = arith.minsi %or3A_85, %or3A_95 : vector<128x128xi32>
    %min3A_310 = arith.minsi %or3A_115, %or3A_125 : vector<128x128xi32>
    %min3A_311 = arith.minsi %min3A_309, %min3A_310 : vector<128x128xi32>
    %and3A_312 = arith.constant -8 : i32
    %and3A_313 = vector.broadcast %and3A_312 : i32 to vector<128x128xi32>
    %and3A_314 = arith.andi %min3A_311, %and3A_313 : vector<128x128xi32>
    %bitcast_convert_type3A_315 = tpu.bitcast %and3A_314 : vector<128x128xi32> -> vector<128x128xf32>
    %add3A_316 = arith.addf %bitcast_convert_type3A_315, %bitcast_convert_type3A_315 : vector<128x128xf32>
    %jit3A_317 = arith.constant 0.000000e+00 : f32
    %broadcast_in_dim3A_318 = vector.broadcast %jit3A_317 : f32 to vector<128x128xf32>
    %select_n3A_319 = arith.select %xor3A_52, %add3A_316, %broadcast_in_dim3A_318 : vector<128x128xi1>, vector<128x128xf32>
    %sub3A_320 = arith.subf %add3A_308, %select_n3A_319 : vector<128x128xf32>
    %sub3A_321 = arith.constant 5.000000e+00 : f32
    %sub3A_322 = vector.broadcast %sub3A_321 : f32 to vector<128x128xf32>
    %sub3A_323 = arith.subf %sub3A_320, %sub3A_322 : vector<128x128xf32>
    %and3A_324 = arith.constant 7 : i32
    %and3A_325 = vector.broadcast %and3A_324 : i32 to vector<128x128xi32>
    %and3A_326 = arith.andi %min3A_311, %and3A_325 : vector<128x128xi32>
    %select_n3A_327 = arith.select %xor3A_52, %and3A_326, %or3A_49 : vector<128x128xi1>, vector<128x128xi32>
    %shift_left3A_328 = arith.constant 5 : i32
    %shift_left3A_329 = vector.broadcast %shift_left3A_328 : i32 to vector<128x128xi32>
    %shift_left3A_330 = arith.shli %select_n3A_327, %shift_left3A_329 : vector<128x128xi32>
    %or3A_331 = arith.constant 5 : i32
    %or3A_332 = vector.broadcast %or3A_331 : i32 to vector<128x128xi32>
    %or3A_333 = arith.ori %shift_left3A_330, %or3A_332 : vector<128x128xi32>
    %gt3A_334 = arith.cmpf ogt, %sub3A_323, %select_n3A_304 : vector<128x128xf32>
    %eq3A_335 = arith.cmpf oeq, %sub3A_323, %select_n3A_304 : vector<128x128xf32>
    %lt3A_336 = arith.cmpi slt, %or3A_333, %select_n3A_305 : vector<128x128xi32>
    %and3A_337 = arith.andi %eq3A_335, %lt3A_336 : vector<128x128xi1>
    %or3A_338 = arith.ori %gt3A_334, %and3A_337 : vector<128x128xi1>
    %select_n3A_339 = arith.select %or3A_338, %sub3A_323, %select_n3A_304 : vector<128x128xi1>, vector<128x128xf32>
    %select_n3A_340 = arith.select %or3A_338, %or3A_333, %select_n3A_305 : vector<128x128xi1>, vector<128x128xi32>
    %add3A_341 = arith.addf %abs3A, %mul3A_61 : vector<128x128xf32>
    %add3A_342 = arith.addf %add3A_341, %mul3A_67 : vector<128x128xf32>
    %add3A_343 = arith.addf %add3A_342, %abs3A_28 : vector<128x128xf32>
    %min3A_344 = arith.minsi %or3A_80, %or3A_100 : vector<128x128xi32>
    %min3A_345 = arith.minsi %or3A_115, %or3A_125 : vector<128x128xi32>
    %min3A_346 = arith.minsi %min3A_344, %min3A_345 : vector<128x128xi32>
    %and3A_347 = arith.constant -8 : i32
    %and3A_348 = vector.broadcast %and3A_347 : i32 to vector<128x128xi32>
    %and3A_349 = arith.andi %min3A_346, %and3A_348 : vector<128x128xi32>
    %bitcast_convert_type3A_350 = tpu.bitcast %and3A_349 : vector<128x128xi32> -> vector<128x128xf32>
    %add3A_351 = arith.addf %bitcast_convert_type3A_350, %bitcast_convert_type3A_350 : vector<128x128xf32>
    %jit3A_352 = arith.constant 0.000000e+00 : f32
    %broadcast_in_dim3A_353 = vector.broadcast %jit3A_352 : f32 to vector<128x128xf32>
    %select_n3A_354 = arith.select %xor3A_52, %add3A_351, %broadcast_in_dim3A_353 : vector<128x128xi1>, vector<128x128xf32>
    %sub3A_355 = arith.subf %add3A_343, %select_n3A_354 : vector<128x128xf32>
    %sub3A_356 = arith.constant 5.000000e+00 : f32
    %sub3A_357 = vector.broadcast %sub3A_356 : f32 to vector<128x128xf32>
    %sub3A_358 = arith.subf %sub3A_355, %sub3A_357 : vector<128x128xf32>
    %and3A_359 = arith.constant 7 : i32
    %and3A_360 = vector.broadcast %and3A_359 : i32 to vector<128x128xi32>
    %and3A_361 = arith.andi %min3A_346, %and3A_360 : vector<128x128xi32>
    %select_n3A_362 = arith.select %xor3A_52, %and3A_361, %or3A_49 : vector<128x128xi1>, vector<128x128xi32>
    %shift_left3A_363 = arith.constant 5 : i32
    %shift_left3A_364 = vector.broadcast %shift_left3A_363 : i32 to vector<128x128xi32>
    %shift_left3A_365 = arith.shli %select_n3A_362, %shift_left3A_364 : vector<128x128xi32>
    %or3A_366 = arith.constant 6 : i32
    %or3A_367 = vector.broadcast %or3A_366 : i32 to vector<128x128xi32>
    %or3A_368 = arith.ori %shift_left3A_365, %or3A_367 : vector<128x128xi32>
    %gt3A_369 = arith.cmpf ogt, %sub3A_358, %select_n3A_339 : vector<128x128xf32>
    %eq3A_370 = arith.cmpf oeq, %sub3A_358, %select_n3A_339 : vector<128x128xf32>
    %lt3A_371 = arith.cmpi slt, %or3A_368, %select_n3A_340 : vector<128x128xi32>
    %and3A_372 = arith.andi %eq3A_370, %lt3A_371 : vector<128x128xi1>
    %or3A_373 = arith.ori %gt3A_369, %and3A_372 : vector<128x128xi1>
    %select_n3A_374 = arith.select %or3A_373, %sub3A_358, %select_n3A_339 : vector<128x128xi1>, vector<128x128xf32>
    %select_n3A_375 = arith.select %or3A_373, %or3A_368, %select_n3A_340 : vector<128x128xi1>, vector<128x128xi32>
    %add3A_376 = arith.addf %mul3A_55, %abs3A_26 : vector<128x128xf32>
    %add3A_377 = arith.addf %add3A_376, %abs3A_27 : vector<128x128xf32>
    %add3A_378 = arith.addf %add3A_377, %mul3A_73 : vector<128x128xf32>
    %min3A_379 = arith.minsi %or3A_85, %or3A_95 : vector<128x128xi32>
    %min3A_380 = arith.minsi %or3A_110, %or3A_130 : vector<128x128xi32>
    %min3A_381 = arith.minsi %min3A_379, %min3A_380 : vector<128x128xi32>
    %and3A_382 = arith.constant -8 : i32
    %and3A_383 = vector.broadcast %and3A_382 : i32 to vector<128x128xi32>
    %and3A_384 = arith.andi %min3A_381, %and3A_383 : vector<128x128xi32>
    %bitcast_convert_type3A_385 = tpu.bitcast %and3A_384 : vector<128x128xi32> -> vector<128x128xf32>
    %add3A_386 = arith.addf %bitcast_convert_type3A_385, %bitcast_convert_type3A_385 : vector<128x128xf32>
    %jit3A_387 = arith.constant 0.000000e+00 : f32
    %broadcast_in_dim3A_388 = vector.broadcast %jit3A_387 : f32 to vector<128x128xf32>
    %select_n3A_389 = arith.select %xor3A_52, %add3A_386, %broadcast_in_dim3A_388 : vector<128x128xi1>, vector<128x128xf32>
    %sub3A_390 = arith.subf %add3A_378, %select_n3A_389 : vector<128x128xf32>
    %sub3A_391 = arith.constant 5.000000e+00 : f32
    %sub3A_392 = vector.broadcast %sub3A_391 : f32 to vector<128x128xf32>
    %sub3A_393 = arith.subf %sub3A_390, %sub3A_392 : vector<128x128xf32>
    %and3A_394 = arith.constant 7 : i32
    %and3A_395 = vector.broadcast %and3A_394 : i32 to vector<128x128xi32>
    %and3A_396 = arith.andi %min3A_381, %and3A_395 : vector<128x128xi32>
    %select_n3A_397 = arith.select %xor3A_52, %and3A_396, %or3A_49 : vector<128x128xi1>, vector<128x128xi32>
    %shift_left3A_398 = arith.constant 5 : i32
    %shift_left3A_399 = vector.broadcast %shift_left3A_398 : i32 to vector<128x128xi32>
    %shift_left3A_400 = arith.shli %select_n3A_397, %shift_left3A_399 : vector<128x128xi32>
    %or3A_401 = arith.constant 7 : i32
    %or3A_402 = vector.broadcast %or3A_401 : i32 to vector<128x128xi32>
    %or3A_403 = arith.ori %shift_left3A_400, %or3A_402 : vector<128x128xi32>
    %gt3A_404 = arith.cmpf ogt, %sub3A_393, %select_n3A_374 : vector<128x128xf32>
    %eq3A_405 = arith.cmpf oeq, %sub3A_393, %select_n3A_374 : vector<128x128xf32>
    %lt3A_406 = arith.cmpi slt, %or3A_403, %select_n3A_375 : vector<128x128xi32>
    %and3A_407 = arith.andi %eq3A_405, %lt3A_406 : vector<128x128xi1>
    %or3A_408 = arith.ori %gt3A_404, %and3A_407 : vector<128x128xi1>
    %select_n3A_409 = arith.select %or3A_408, %sub3A_393, %select_n3A_374 : vector<128x128xi1>, vector<128x128xf32>
    %select_n3A_410 = arith.select %or3A_408, %or3A_403, %select_n3A_375 : vector<128x128xi1>, vector<128x128xi32>
    %add3A_411 = arith.addf %mul3A_55, %abs3A_26 : vector<128x128xf32>
    %add3A_412 = arith.addf %add3A_411, %abs3A_27 : vector<128x128xf32>
    %add3A_413 = arith.addf %add3A_412, %abs3A_28 : vector<128x128xf32>
    %min3A_414 = arith.minsi %or3A_85, %or3A_95 : vector<128x128xi32>
    %min3A_415 = arith.minsi %or3A_110, %or3A_125 : vector<128x128xi32>
    %min3A_416 = arith.minsi %min3A_414, %min3A_415 : vector<128x128xi32>
    %and3A_417 = arith.constant -8 : i32
    %and3A_418 = vector.broadcast %and3A_417 : i32 to vector<128x128xi32>
    %and3A_419 = arith.andi %min3A_416, %and3A_418 : vector<128x128xi32>
    %bitcast_convert_type3A_420 = tpu.bitcast %and3A_419 : vector<128x128xi32> -> vector<128x128xf32>
    %add3A_421 = arith.addf %bitcast_convert_type3A_420, %bitcast_convert_type3A_420 : vector<128x128xf32>
    %jit3A_422 = arith.constant 0.000000e+00 : f32
    %broadcast_in_dim3A_423 = vector.broadcast %jit3A_422 : f32 to vector<128x128xf32>
    %select_n3A_424 = arith.select %not3A_53, %add3A_421, %broadcast_in_dim3A_423 : vector<128x128xi1>, vector<128x128xf32>
    %sub3A_425 = arith.subf %add3A_413, %select_n3A_424 : vector<128x128xf32>
    %sub3A_426 = arith.constant 3.000000e+00 : f32
    %sub3A_427 = vector.broadcast %sub3A_426 : f32 to vector<128x128xf32>
    %sub3A_428 = arith.subf %sub3A_425, %sub3A_427 : vector<128x128xf32>
    %and3A_429 = arith.constant 7 : i32
    %and3A_430 = vector.broadcast %and3A_429 : i32 to vector<128x128xi32>
    %and3A_431 = arith.andi %min3A_416, %and3A_430 : vector<128x128xi32>
    %select_n3A_432 = arith.select %not3A_53, %and3A_431, %or3A_49 : vector<128x128xi1>, vector<128x128xi32>
    %shift_left3A_433 = arith.constant 5 : i32
    %shift_left3A_434 = vector.broadcast %shift_left3A_433 : i32 to vector<128x128xi32>
    %shift_left3A_435 = arith.shli %select_n3A_432, %shift_left3A_434 : vector<128x128xi32>
    %or3A_436 = arith.constant 8 : i32
    %or3A_437 = vector.broadcast %or3A_436 : i32 to vector<128x128xi32>
    %or3A_438 = arith.ori %shift_left3A_435, %or3A_437 : vector<128x128xi32>
    %gt3A_439 = arith.cmpf ogt, %sub3A_428, %select_n3A_409 : vector<128x128xf32>
    %eq3A_440 = arith.cmpf oeq, %sub3A_428, %select_n3A_409 : vector<128x128xf32>
    %lt3A_441 = arith.cmpi slt, %or3A_438, %select_n3A_410 : vector<128x128xi32>
    %and3A_442 = arith.andi %eq3A_440, %lt3A_441 : vector<128x128xi1>
    %or3A_443 = arith.ori %gt3A_439, %and3A_442 : vector<128x128xi1>
    %select_n3A_444 = arith.select %or3A_443, %sub3A_428, %select_n3A_409 : vector<128x128xi1>, vector<128x128xf32>
    %select_n3A_445 = arith.select %or3A_443, %or3A_438, %select_n3A_410 : vector<128x128xi1>, vector<128x128xi32>
    %add3A_446 = arith.addf %abs3A, %mul3A_61 : vector<128x128xf32>
    %add3A_447 = arith.addf %add3A_446, %abs3A_27 : vector<128x128xf32>
    %add3A_448 = arith.addf %add3A_447, %abs3A_28 : vector<128x128xf32>
    %min3A_449 = arith.minsi %or3A_80, %or3A_100 : vector<128x128xi32>
    %min3A_450 = arith.minsi %or3A_110, %or3A_125 : vector<128x128xi32>
    %min3A_451 = arith.minsi %min3A_449, %min3A_450 : vector<128x128xi32>
    %and3A_452 = arith.constant -8 : i32
    %and3A_453 = vector.broadcast %and3A_452 : i32 to vector<128x128xi32>
    %and3A_454 = arith.andi %min3A_451, %and3A_453 : vector<128x128xi32>
    %bitcast_convert_type3A_455 = tpu.bitcast %and3A_454 : vector<128x128xi32> -> vector<128x128xf32>
    %add3A_456 = arith.addf %bitcast_convert_type3A_455, %bitcast_convert_type3A_455 : vector<128x128xf32>
    %jit3A_457 = arith.constant 0.000000e+00 : f32
    %broadcast_in_dim3A_458 = vector.broadcast %jit3A_457 : f32 to vector<128x128xf32>
    %select_n3A_459 = arith.select %not3A_53, %add3A_456, %broadcast_in_dim3A_458 : vector<128x128xi1>, vector<128x128xf32>
    %sub3A_460 = arith.subf %add3A_448, %select_n3A_459 : vector<128x128xf32>
    %sub3A_461 = arith.constant 3.000000e+00 : f32
    %sub3A_462 = vector.broadcast %sub3A_461 : f32 to vector<128x128xf32>
    %sub3A_463 = arith.subf %sub3A_460, %sub3A_462 : vector<128x128xf32>
    %and3A_464 = arith.constant 7 : i32
    %and3A_465 = vector.broadcast %and3A_464 : i32 to vector<128x128xi32>
    %and3A_466 = arith.andi %min3A_451, %and3A_465 : vector<128x128xi32>
    %select_n3A_467 = arith.select %not3A_53, %and3A_466, %or3A_49 : vector<128x128xi1>, vector<128x128xi32>
    %shift_left3A_468 = arith.constant 5 : i32
    %shift_left3A_469 = vector.broadcast %shift_left3A_468 : i32 to vector<128x128xi32>
    %shift_left3A_470 = arith.shli %select_n3A_467, %shift_left3A_469 : vector<128x128xi32>
    %or3A_471 = arith.constant 9 : i32
    %or3A_472 = vector.broadcast %or3A_471 : i32 to vector<128x128xi32>
    %or3A_473 = arith.ori %shift_left3A_470, %or3A_472 : vector<128x128xi32>
    %gt3A_474 = arith.cmpf ogt, %sub3A_463, %select_n3A_444 : vector<128x128xf32>
    %eq3A_475 = arith.cmpf oeq, %sub3A_463, %select_n3A_444 : vector<128x128xf32>
    %lt3A_476 = arith.cmpi slt, %or3A_473, %select_n3A_445 : vector<128x128xi32>
    %and3A_477 = arith.andi %eq3A_475, %lt3A_476 : vector<128x128xi1>
    %or3A_478 = arith.ori %gt3A_474, %and3A_477 : vector<128x128xi1>
    %select_n3A_479 = arith.select %or3A_478, %sub3A_463, %select_n3A_444 : vector<128x128xi1>, vector<128x128xf32>
    %select_n3A_480 = arith.select %or3A_478, %or3A_473, %select_n3A_445 : vector<128x128xi1>, vector<128x128xi32>
    %add3A_481 = arith.addf %abs3A, %abs3A_26 : vector<128x128xf32>
    %add3A_482 = arith.addf %add3A_481, %mul3A_67 : vector<128x128xf32>
    %add3A_483 = arith.addf %add3A_482, %abs3A_28 : vector<128x128xf32>
    %min3A_484 = arith.minsi %or3A_80, %or3A_95 : vector<128x128xi32>
    %min3A_485 = arith.minsi %or3A_115, %or3A_125 : vector<128x128xi32>
    %min3A_486 = arith.minsi %min3A_484, %min3A_485 : vector<128x128xi32>
    %and3A_487 = arith.constant -8 : i32
    %and3A_488 = vector.broadcast %and3A_487 : i32 to vector<128x128xi32>
    %and3A_489 = arith.andi %min3A_486, %and3A_488 : vector<128x128xi32>
    %bitcast_convert_type3A_490 = tpu.bitcast %and3A_489 : vector<128x128xi32> -> vector<128x128xf32>
    %add3A_491 = arith.addf %bitcast_convert_type3A_490, %bitcast_convert_type3A_490 : vector<128x128xf32>
    %jit3A_492 = arith.constant 0.000000e+00 : f32
    %broadcast_in_dim3A_493 = vector.broadcast %jit3A_492 : f32 to vector<128x128xf32>
    %select_n3A_494 = arith.select %not3A_53, %add3A_491, %broadcast_in_dim3A_493 : vector<128x128xi1>, vector<128x128xf32>
    %sub3A_495 = arith.subf %add3A_483, %select_n3A_494 : vector<128x128xf32>
    %sub3A_496 = arith.constant 3.000000e+00 : f32
    %sub3A_497 = vector.broadcast %sub3A_496 : f32 to vector<128x128xf32>
    %sub3A_498 = arith.subf %sub3A_495, %sub3A_497 : vector<128x128xf32>
    %and3A_499 = arith.constant 7 : i32
    %and3A_500 = vector.broadcast %and3A_499 : i32 to vector<128x128xi32>
    %and3A_501 = arith.andi %min3A_486, %and3A_500 : vector<128x128xi32>
    %select_n3A_502 = arith.select %not3A_53, %and3A_501, %or3A_49 : vector<128x128xi1>, vector<128x128xi32>
    %shift_left3A_503 = arith.constant 5 : i32
    %shift_left3A_504 = vector.broadcast %shift_left3A_503 : i32 to vector<128x128xi32>
    %shift_left3A_505 = arith.shli %select_n3A_502, %shift_left3A_504 : vector<128x128xi32>
    %or3A_506 = arith.constant 10 : i32
    %or3A_507 = vector.broadcast %or3A_506 : i32 to vector<128x128xi32>
    %or3A_508 = arith.ori %shift_left3A_505, %or3A_507 : vector<128x128xi32>
    %gt3A_509 = arith.cmpf ogt, %sub3A_498, %select_n3A_479 : vector<128x128xf32>
    %eq3A_510 = arith.cmpf oeq, %sub3A_498, %select_n3A_479 : vector<128x128xf32>
    %lt3A_511 = arith.cmpi slt, %or3A_508, %select_n3A_480 : vector<128x128xi32>
    %and3A_512 = arith.andi %eq3A_510, %lt3A_511 : vector<128x128xi1>
    %or3A_513 = arith.ori %gt3A_509, %and3A_512 : vector<128x128xi1>
    %select_n3A_514 = arith.select %or3A_513, %sub3A_498, %select_n3A_479 : vector<128x128xi1>, vector<128x128xf32>
    %select_n3A_515 = arith.select %or3A_513, %or3A_508, %select_n3A_480 : vector<128x128xi1>, vector<128x128xi32>
    %add3A_516 = arith.addf %abs3A, %abs3A_26 : vector<128x128xf32>
    %add3A_517 = arith.addf %add3A_516, %abs3A_27 : vector<128x128xf32>
    %add3A_518 = arith.addf %add3A_517, %mul3A_73 : vector<128x128xf32>
    %min3A_519 = arith.minsi %or3A_80, %or3A_95 : vector<128x128xi32>
    %min3A_520 = arith.minsi %or3A_110, %or3A_130 : vector<128x128xi32>
    %min3A_521 = arith.minsi %min3A_519, %min3A_520 : vector<128x128xi32>
    %and3A_522 = arith.constant -8 : i32
    %and3A_523 = vector.broadcast %and3A_522 : i32 to vector<128x128xi32>
    %and3A_524 = arith.andi %min3A_521, %and3A_523 : vector<128x128xi32>
    %bitcast_convert_type3A_525 = tpu.bitcast %and3A_524 : vector<128x128xi32> -> vector<128x128xf32>
    %add3A_526 = arith.addf %bitcast_convert_type3A_525, %bitcast_convert_type3A_525 : vector<128x128xf32>
    %jit3A_527 = arith.constant 0.000000e+00 : f32
    %broadcast_in_dim3A_528 = vector.broadcast %jit3A_527 : f32 to vector<128x128xf32>
    %select_n3A_529 = arith.select %not3A_53, %add3A_526, %broadcast_in_dim3A_528 : vector<128x128xi1>, vector<128x128xf32>
    %sub3A_530 = arith.subf %add3A_518, %select_n3A_529 : vector<128x128xf32>
    %sub3A_531 = arith.constant 3.000000e+00 : f32
    %sub3A_532 = vector.broadcast %sub3A_531 : f32 to vector<128x128xf32>
    %sub3A_533 = arith.subf %sub3A_530, %sub3A_532 : vector<128x128xf32>
    %and3A_534 = arith.constant 7 : i32
    %and3A_535 = vector.broadcast %and3A_534 : i32 to vector<128x128xi32>
    %and3A_536 = arith.andi %min3A_521, %and3A_535 : vector<128x128xi32>
    %select_n3A_537 = arith.select %not3A_53, %and3A_536, %or3A_49 : vector<128x128xi1>, vector<128x128xi32>
    %shift_left3A_538 = arith.constant 5 : i32
    %shift_left3A_539 = vector.broadcast %shift_left3A_538 : i32 to vector<128x128xi32>
    %shift_left3A_540 = arith.shli %select_n3A_537, %shift_left3A_539 : vector<128x128xi32>
    %or3A_541 = arith.constant 11 : i32
    %or3A_542 = vector.broadcast %or3A_541 : i32 to vector<128x128xi32>
    %or3A_543 = arith.ori %shift_left3A_540, %or3A_542 : vector<128x128xi32>
    %gt3A_544 = arith.cmpf ogt, %sub3A_533, %select_n3A_514 : vector<128x128xf32>
    %eq3A_545 = arith.cmpf oeq, %sub3A_533, %select_n3A_514 : vector<128x128xf32>
    %lt3A_546 = arith.cmpi slt, %or3A_543, %select_n3A_515 : vector<128x128xi32>
    %and3A_547 = arith.andi %eq3A_545, %lt3A_546 : vector<128x128xi1>
    %or3A_548 = arith.ori %gt3A_544, %and3A_547 : vector<128x128xi1>
    %select_n3A_549 = arith.select %or3A_548, %sub3A_533, %select_n3A_514 : vector<128x128xi1>, vector<128x128xf32>
    %select_n3A_550 = arith.select %or3A_548, %or3A_543, %select_n3A_515 : vector<128x128xi1>, vector<128x128xi32>
    %add3A_551 = arith.addf %abs3A, %mul3A_61 : vector<128x128xf32>
    %add3A_552 = arith.addf %add3A_551, %mul3A_67 : vector<128x128xf32>
    %add3A_553 = arith.addf %add3A_552, %mul3A_73 : vector<128x128xf32>
    %min3A_554 = arith.minsi %or3A_80, %or3A_100 : vector<128x128xi32>
    %min3A_555 = arith.minsi %or3A_115, %or3A_130 : vector<128x128xi32>
    %min3A_556 = arith.minsi %min3A_554, %min3A_555 : vector<128x128xi32>
    %and3A_557 = arith.constant -8 : i32
    %and3A_558 = vector.broadcast %and3A_557 : i32 to vector<128x128xi32>
    %and3A_559 = arith.andi %min3A_556, %and3A_558 : vector<128x128xi32>
    %bitcast_convert_type3A_560 = tpu.bitcast %and3A_559 : vector<128x128xi32> -> vector<128x128xf32>
    %add3A_561 = arith.addf %bitcast_convert_type3A_560, %bitcast_convert_type3A_560 : vector<128x128xf32>
    %jit3A_562 = arith.constant 0.000000e+00 : f32
    %broadcast_in_dim3A_563 = vector.broadcast %jit3A_562 : f32 to vector<128x128xf32>
    %select_n3A_564 = arith.select %not3A_53, %add3A_561, %broadcast_in_dim3A_563 : vector<128x128xi1>, vector<128x128xf32>
    %sub3A_565 = arith.subf %add3A_553, %select_n3A_564 : vector<128x128xf32>
    %sub3A_566 = arith.constant 7.000000e+00 : f32
    %sub3A_567 = vector.broadcast %sub3A_566 : f32 to vector<128x128xf32>
    %sub3A_568 = arith.subf %sub3A_565, %sub3A_567 : vector<128x128xf32>
    %and3A_569 = arith.constant 7 : i32
    %and3A_570 = vector.broadcast %and3A_569 : i32 to vector<128x128xi32>
    %and3A_571 = arith.andi %min3A_556, %and3A_570 : vector<128x128xi32>
    %select_n3A_572 = arith.select %not3A_53, %and3A_571, %or3A_49 : vector<128x128xi1>, vector<128x128xi32>
    %shift_left3A_573 = arith.constant 5 : i32
    %shift_left3A_574 = vector.broadcast %shift_left3A_573 : i32 to vector<128x128xi32>
    %shift_left3A_575 = arith.shli %select_n3A_572, %shift_left3A_574 : vector<128x128xi32>
    %or3A_576 = arith.constant 12 : i32
    %or3A_577 = vector.broadcast %or3A_576 : i32 to vector<128x128xi32>
    %or3A_578 = arith.ori %shift_left3A_575, %or3A_577 : vector<128x128xi32>
    %gt3A_579 = arith.cmpf ogt, %sub3A_568, %select_n3A_549 : vector<128x128xf32>
    %eq3A_580 = arith.cmpf oeq, %sub3A_568, %select_n3A_549 : vector<128x128xf32>
    %lt3A_581 = arith.cmpi slt, %or3A_578, %select_n3A_550 : vector<128x128xi32>
    %and3A_582 = arith.andi %eq3A_580, %lt3A_581 : vector<128x128xi1>
    %or3A_583 = arith.ori %gt3A_579, %and3A_582 : vector<128x128xi1>
    %select_n3A_584 = arith.select %or3A_583, %sub3A_568, %select_n3A_549 : vector<128x128xi1>, vector<128x128xf32>
    %select_n3A_585 = arith.select %or3A_583, %or3A_578, %select_n3A_550 : vector<128x128xi1>, vector<128x128xi32>
    %add3A_586 = arith.addf %mul3A_55, %abs3A_26 : vector<128x128xf32>
    %add3A_587 = arith.addf %add3A_586, %mul3A_67 : vector<128x128xf32>
    %add3A_588 = arith.addf %add3A_587, %mul3A_73 : vector<128x128xf32>
    %min3A_589 = arith.minsi %or3A_85, %or3A_95 : vector<128x128xi32>
    %min3A_590 = arith.minsi %or3A_115, %or3A_130 : vector<128x128xi32>
    %min3A_591 = arith.minsi %min3A_589, %min3A_590 : vector<128x128xi32>
    %and3A_592 = arith.constant -8 : i32
    %and3A_593 = vector.broadcast %and3A_592 : i32 to vector<128x128xi32>
    %and3A_594 = arith.andi %min3A_591, %and3A_593 : vector<128x128xi32>
    %bitcast_convert_type3A_595 = tpu.bitcast %and3A_594 : vector<128x128xi32> -> vector<128x128xf32>
    %add3A_596 = arith.addf %bitcast_convert_type3A_595, %bitcast_convert_type3A_595 : vector<128x128xf32>
    %jit3A_597 = arith.constant 0.000000e+00 : f32
    %broadcast_in_dim3A_598 = vector.broadcast %jit3A_597 : f32 to vector<128x128xf32>
    %select_n3A_599 = arith.select %not3A_53, %add3A_596, %broadcast_in_dim3A_598 : vector<128x128xi1>, vector<128x128xf32>
    %sub3A_600 = arith.subf %add3A_588, %select_n3A_599 : vector<128x128xf32>
    %sub3A_601 = arith.constant 7.000000e+00 : f32
    %sub3A_602 = vector.broadcast %sub3A_601 : f32 to vector<128x128xf32>
    %sub3A_603 = arith.subf %sub3A_600, %sub3A_602 : vector<128x128xf32>
    %and3A_604 = arith.constant 7 : i32
    %and3A_605 = vector.broadcast %and3A_604 : i32 to vector<128x128xi32>
    %and3A_606 = arith.andi %min3A_591, %and3A_605 : vector<128x128xi32>
    %select_n3A_607 = arith.select %not3A_53, %and3A_606, %or3A_49 : vector<128x128xi1>, vector<128x128xi32>
    %shift_left3A_608 = arith.constant 5 : i32
    %shift_left3A_609 = vector.broadcast %shift_left3A_608 : i32 to vector<128x128xi32>
    %shift_left3A_610 = arith.shli %select_n3A_607, %shift_left3A_609 : vector<128x128xi32>
    %or3A_611 = arith.constant 13 : i32
    %or3A_612 = vector.broadcast %or3A_611 : i32 to vector<128x128xi32>
    %or3A_613 = arith.ori %shift_left3A_610, %or3A_612 : vector<128x128xi32>
    %gt3A_614 = arith.cmpf ogt, %sub3A_603, %select_n3A_584 : vector<128x128xf32>
    %eq3A_615 = arith.cmpf oeq, %sub3A_603, %select_n3A_584 : vector<128x128xf32>
    %lt3A_616 = arith.cmpi slt, %or3A_613, %select_n3A_585 : vector<128x128xi32>
    %and3A_617 = arith.andi %eq3A_615, %lt3A_616 : vector<128x128xi1>
    %or3A_618 = arith.ori %gt3A_614, %and3A_617 : vector<128x128xi1>
    %select_n3A_619 = arith.select %or3A_618, %sub3A_603, %select_n3A_584 : vector<128x128xi1>, vector<128x128xf32>
    %select_n3A_620 = arith.select %or3A_618, %or3A_613, %select_n3A_585 : vector<128x128xi1>, vector<128x128xi32>
    %add3A_621 = arith.addf %mul3A_55, %mul3A_61 : vector<128x128xf32>
    %add3A_622 = arith.addf %add3A_621, %abs3A_27 : vector<128x128xf32>
    %add3A_623 = arith.addf %add3A_622, %mul3A_73 : vector<128x128xf32>
    %min3A_624 = arith.minsi %or3A_85, %or3A_100 : vector<128x128xi32>
    %min3A_625 = arith.minsi %or3A_110, %or3A_130 : vector<128x128xi32>
    %min3A_626 = arith.minsi %min3A_624, %min3A_625 : vector<128x128xi32>
    %and3A_627 = arith.constant -8 : i32
    %and3A_628 = vector.broadcast %and3A_627 : i32 to vector<128x128xi32>
    %and3A_629 = arith.andi %min3A_626, %and3A_628 : vector<128x128xi32>
    %bitcast_convert_type3A_630 = tpu.bitcast %and3A_629 : vector<128x128xi32> -> vector<128x128xf32>
    %add3A_631 = arith.addf %bitcast_convert_type3A_630, %bitcast_convert_type3A_630 : vector<128x128xf32>
    %jit3A_632 = arith.constant 0.000000e+00 : f32
    %broadcast_in_dim3A_633 = vector.broadcast %jit3A_632 : f32 to vector<128x128xf32>
    %select_n3A_634 = arith.select %not3A_53, %add3A_631, %broadcast_in_dim3A_633 : vector<128x128xi1>, vector<128x128xf32>
    %sub3A_635 = arith.subf %add3A_623, %select_n3A_634 : vector<128x128xf32>
    %sub3A_636 = arith.constant 7.000000e+00 : f32
    %sub3A_637 = vector.broadcast %sub3A_636 : f32 to vector<128x128xf32>
    %sub3A_638 = arith.subf %sub3A_635, %sub3A_637 : vector<128x128xf32>
    %and3A_639 = arith.constant 7 : i32
    %and3A_640 = vector.broadcast %and3A_639 : i32 to vector<128x128xi32>
    %and3A_641 = arith.andi %min3A_626, %and3A_640 : vector<128x128xi32>
    %select_n3A_642 = arith.select %not3A_53, %and3A_641, %or3A_49 : vector<128x128xi1>, vector<128x128xi32>
    %shift_left3A_643 = arith.constant 5 : i32
    %shift_left3A_644 = vector.broadcast %shift_left3A_643 : i32 to vector<128x128xi32>
    %shift_left3A_645 = arith.shli %select_n3A_642, %shift_left3A_644 : vector<128x128xi32>
    %or3A_646 = arith.constant 14 : i32
    %or3A_647 = vector.broadcast %or3A_646 : i32 to vector<128x128xi32>
    %or3A_648 = arith.ori %shift_left3A_645, %or3A_647 : vector<128x128xi32>
    %gt3A_649 = arith.cmpf ogt, %sub3A_638, %select_n3A_619 : vector<128x128xf32>
    %eq3A_650 = arith.cmpf oeq, %sub3A_638, %select_n3A_619 : vector<128x128xf32>
    %lt3A_651 = arith.cmpi slt, %or3A_648, %select_n3A_620 : vector<128x128xi32>
    %and3A_652 = arith.andi %eq3A_650, %lt3A_651 : vector<128x128xi1>
    %or3A_653 = arith.ori %gt3A_649, %and3A_652 : vector<128x128xi1>
    %select_n3A_654 = arith.select %or3A_653, %sub3A_638, %select_n3A_619 : vector<128x128xi1>, vector<128x128xf32>
    %select_n3A_655 = arith.select %or3A_653, %or3A_648, %select_n3A_620 : vector<128x128xi1>, vector<128x128xi32>
    %add3A_656 = arith.addf %mul3A_55, %mul3A_61 : vector<128x128xf32>
    %add3A_657 = arith.addf %add3A_656, %mul3A_67 : vector<128x128xf32>
    %add3A_658 = arith.addf %add3A_657, %abs3A_28 : vector<128x128xf32>
    %min3A_659 = arith.minsi %or3A_85, %or3A_100 : vector<128x128xi32>
    %min3A_660 = arith.minsi %or3A_115, %or3A_125 : vector<128x128xi32>
    %min3A_661 = arith.minsi %min3A_659, %min3A_660 : vector<128x128xi32>
    %and3A_662 = arith.constant -8 : i32
    %and3A_663 = vector.broadcast %and3A_662 : i32 to vector<128x128xi32>
    %and3A_664 = arith.andi %min3A_661, %and3A_663 : vector<128x128xi32>
    %bitcast_convert_type3A_665 = tpu.bitcast %and3A_664 : vector<128x128xi32> -> vector<128x128xf32>
    %add3A_666 = arith.addf %bitcast_convert_type3A_665, %bitcast_convert_type3A_665 : vector<128x128xf32>
    %jit3A_667 = arith.constant 0.000000e+00 : f32
    %broadcast_in_dim3A_668 = vector.broadcast %jit3A_667 : f32 to vector<128x128xf32>
    %select_n3A_669 = arith.select %not3A_53, %add3A_666, %broadcast_in_dim3A_668 : vector<128x128xi1>, vector<128x128xf32>
    %sub3A_670 = arith.subf %add3A_658, %select_n3A_669 : vector<128x128xf32>
    %sub3A_671 = arith.constant 7.000000e+00 : f32
    %sub3A_672 = vector.broadcast %sub3A_671 : f32 to vector<128x128xf32>
    %sub3A_673 = arith.subf %sub3A_670, %sub3A_672 : vector<128x128xf32>
    %and3A_674 = arith.constant 7 : i32
    %and3A_675 = vector.broadcast %and3A_674 : i32 to vector<128x128xi32>
    %and3A_676 = arith.andi %min3A_661, %and3A_675 : vector<128x128xi32>
    %select_n3A_677 = arith.select %not3A_53, %and3A_676, %or3A_49 : vector<128x128xi1>, vector<128x128xi32>
    %shift_left3A_678 = arith.constant 5 : i32
    %shift_left3A_679 = vector.broadcast %shift_left3A_678 : i32 to vector<128x128xi32>
    %shift_left3A_680 = arith.shli %select_n3A_677, %shift_left3A_679 : vector<128x128xi32>
    %or3A_681 = arith.constant 15 : i32
    %or3A_682 = vector.broadcast %or3A_681 : i32 to vector<128x128xi32>
    %or3A_683 = arith.ori %shift_left3A_680, %or3A_682 : vector<128x128xi32>
    %gt3A_684 = arith.cmpf ogt, %sub3A_673, %select_n3A_654 : vector<128x128xf32>
    %eq3A_685 = arith.cmpf oeq, %sub3A_673, %select_n3A_654 : vector<128x128xf32>
    %lt3A_686 = arith.cmpi slt, %or3A_683, %select_n3A_655 : vector<128x128xi32>
    %and3A_687 = arith.andi %eq3A_685, %lt3A_686 : vector<128x128xi1>
    %or3A_688 = arith.ori %gt3A_684, %and3A_687 : vector<128x128xi1>
    %select_n3A_689 = arith.select %or3A_688, %sub3A_673, %select_n3A_654 : vector<128x128xi1>, vector<128x128xf32>
    %select_n3A_690 = arith.select %or3A_688, %or3A_683, %select_n3A_655 : vector<128x128xi1>, vector<128x128xi32>
    %add3A_691 = arith.addf %mul3A_58, %abs3A_26 : vector<128x128xf32>
    %add3A_692 = arith.addf %add3A_691, %abs3A_27 : vector<128x128xf32>
    %add3A_693 = arith.addf %add3A_692, %abs3A_28 : vector<128x128xf32>
    %min3A_694 = arith.minsi %or3A_90, %or3A_95 : vector<128x128xi32>
    %min3A_695 = arith.minsi %or3A_110, %or3A_125 : vector<128x128xi32>
    %min3A_696 = arith.minsi %min3A_694, %min3A_695 : vector<128x128xi32>
    %and3A_697 = arith.constant -8 : i32
    %and3A_698 = vector.broadcast %and3A_697 : i32 to vector<128x128xi32>
    %and3A_699 = arith.andi %min3A_696, %and3A_698 : vector<128x128xi32>
    %bitcast_convert_type3A_700 = tpu.bitcast %and3A_699 : vector<128x128xi32> -> vector<128x128xf32>
    %add3A_701 = arith.addf %bitcast_convert_type3A_700, %bitcast_convert_type3A_700 : vector<128x128xf32>
    %jit3A_702 = arith.constant 0.000000e+00 : f32
    %broadcast_in_dim3A_703 = vector.broadcast %jit3A_702 : f32 to vector<128x128xf32>
    %select_n3A_704 = arith.select %xor3A_52, %add3A_701, %broadcast_in_dim3A_703 : vector<128x128xi1>, vector<128x128xf32>
    %sub3A_705 = arith.subf %add3A_693, %select_n3A_704 : vector<128x128xf32>
    %sub3A_706 = arith.constant 7.000000e+00 : f32
    %sub3A_707 = vector.broadcast %sub3A_706 : f32 to vector<128x128xf32>
    %sub3A_708 = arith.subf %sub3A_705, %sub3A_707 : vector<128x128xf32>
    %and3A_709 = arith.constant 7 : i32
    %and3A_710 = vector.broadcast %and3A_709 : i32 to vector<128x128xi32>
    %and3A_711 = arith.andi %min3A_696, %and3A_710 : vector<128x128xi32>
    %select_n3A_712 = arith.select %xor3A_52, %and3A_711, %or3A_49 : vector<128x128xi1>, vector<128x128xi32>
    %shift_left3A_713 = arith.constant 5 : i32
    %shift_left3A_714 = vector.broadcast %shift_left3A_713 : i32 to vector<128x128xi32>
    %shift_left3A_715 = arith.shli %select_n3A_712, %shift_left3A_714 : vector<128x128xi32>
    %or3A_716 = arith.constant 16 : i32
    %or3A_717 = vector.broadcast %or3A_716 : i32 to vector<128x128xi32>
    %or3A_718 = arith.ori %shift_left3A_715, %or3A_717 : vector<128x128xi32>
    %gt3A_719 = arith.cmpf ogt, %sub3A_708, %select_n3A_689 : vector<128x128xf32>
    %eq3A_720 = arith.cmpf oeq, %sub3A_708, %select_n3A_689 : vector<128x128xf32>
    %lt3A_721 = arith.cmpi slt, %or3A_718, %select_n3A_690 : vector<128x128xi32>
    %and3A_722 = arith.andi %eq3A_720, %lt3A_721 : vector<128x128xi1>
    %or3A_723 = arith.ori %gt3A_719, %and3A_722 : vector<128x128xi1>
    %select_n3A_724 = arith.select %or3A_723, %sub3A_708, %select_n3A_689 : vector<128x128xi1>, vector<128x128xf32>
    %select_n3A_725 = arith.select %or3A_723, %or3A_718, %select_n3A_690 : vector<128x128xi1>, vector<128x128xi32>
    %add3A_726 = arith.addf %abs3A, %mul3A_64 : vector<128x128xf32>
    %add3A_727 = arith.addf %add3A_726, %abs3A_27 : vector<128x128xf32>
    %add3A_728 = arith.addf %add3A_727, %abs3A_28 : vector<128x128xf32>
    %min3A_729 = arith.minsi %or3A_80, %or3A_105 : vector<128x128xi32>
    %min3A_730 = arith.minsi %or3A_110, %or3A_125 : vector<128x128xi32>
    %min3A_731 = arith.minsi %min3A_729, %min3A_730 : vector<128x128xi32>
    %and3A_732 = arith.constant -8 : i32
    %and3A_733 = vector.broadcast %and3A_732 : i32 to vector<128x128xi32>
    %and3A_734 = arith.andi %min3A_731, %and3A_733 : vector<128x128xi32>
    %bitcast_convert_type3A_735 = tpu.bitcast %and3A_734 : vector<128x128xi32> -> vector<128x128xf32>
    %add3A_736 = arith.addf %bitcast_convert_type3A_735, %bitcast_convert_type3A_735 : vector<128x128xf32>
    %jit3A_737 = arith.constant 0.000000e+00 : f32
    %broadcast_in_dim3A_738 = vector.broadcast %jit3A_737 : f32 to vector<128x128xf32>
    %select_n3A_739 = arith.select %xor3A_52, %add3A_736, %broadcast_in_dim3A_738 : vector<128x128xi1>, vector<128x128xf32>
    %sub3A_740 = arith.subf %add3A_728, %select_n3A_739 : vector<128x128xf32>
    %sub3A_741 = arith.constant 7.000000e+00 : f32
    %sub3A_742 = vector.broadcast %sub3A_741 : f32 to vector<128x128xf32>
    %sub3A_743 = arith.subf %sub3A_740, %sub3A_742 : vector<128x128xf32>
    %and3A_744 = arith.constant 7 : i32
    %and3A_745 = vector.broadcast %and3A_744 : i32 to vector<128x128xi32>
    %and3A_746 = arith.andi %min3A_731, %and3A_745 : vector<128x128xi32>
    %select_n3A_747 = arith.select %xor3A_52, %and3A_746, %or3A_49 : vector<128x128xi1>, vector<128x128xi32>
    %shift_left3A_748 = arith.constant 5 : i32
    %shift_left3A_749 = vector.broadcast %shift_left3A_748 : i32 to vector<128x128xi32>
    %shift_left3A_750 = arith.shli %select_n3A_747, %shift_left3A_749 : vector<128x128xi32>
    %or3A_751 = arith.constant 17 : i32
    %or3A_752 = vector.broadcast %or3A_751 : i32 to vector<128x128xi32>
    %or3A_753 = arith.ori %shift_left3A_750, %or3A_752 : vector<128x128xi32>
    %gt3A_754 = arith.cmpf ogt, %sub3A_743, %select_n3A_724 : vector<128x128xf32>
    %eq3A_755 = arith.cmpf oeq, %sub3A_743, %select_n3A_724 : vector<128x128xf32>
    %lt3A_756 = arith.cmpi slt, %or3A_753, %select_n3A_725 : vector<128x128xi32>
    %and3A_757 = arith.andi %eq3A_755, %lt3A_756 : vector<128x128xi1>
    %or3A_758 = arith.ori %gt3A_754, %and3A_757 : vector<128x128xi1>
    %select_n3A_759 = arith.select %or3A_758, %sub3A_743, %select_n3A_724 : vector<128x128xi1>, vector<128x128xf32>
    %select_n3A_760 = arith.select %or3A_758, %or3A_753, %select_n3A_725 : vector<128x128xi1>, vector<128x128xi32>
    %add3A_761 = arith.addf %abs3A, %abs3A_26 : vector<128x128xf32>
    %add3A_762 = arith.addf %add3A_761, %mul3A_70 : vector<128x128xf32>
    %add3A_763 = arith.addf %add3A_762, %abs3A_28 : vector<128x128xf32>
    %min3A_764 = arith.minsi %or3A_80, %or3A_95 : vector<128x128xi32>
    %min3A_765 = arith.minsi %or3A_120, %or3A_125 : vector<128x128xi32>
    %min3A_766 = arith.minsi %min3A_764, %min3A_765 : vector<128x128xi32>
    %and3A_767 = arith.constant -8 : i32
    %and3A_768 = vector.broadcast %and3A_767 : i32 to vector<128x128xi32>
    %and3A_769 = arith.andi %min3A_766, %and3A_768 : vector<128x128xi32>
    %bitcast_convert_type3A_770 = tpu.bitcast %and3A_769 : vector<128x128xi32> -> vector<128x128xf32>
    %add3A_771 = arith.addf %bitcast_convert_type3A_770, %bitcast_convert_type3A_770 : vector<128x128xf32>
    %jit3A_772 = arith.constant 0.000000e+00 : f32
    %broadcast_in_dim3A_773 = vector.broadcast %jit3A_772 : f32 to vector<128x128xf32>
    %select_n3A_774 = arith.select %xor3A_52, %add3A_771, %broadcast_in_dim3A_773 : vector<128x128xi1>, vector<128x128xf32>
    %sub3A_775 = arith.subf %add3A_763, %select_n3A_774 : vector<128x128xf32>
    %sub3A_776 = arith.constant 7.000000e+00 : f32
    %sub3A_777 = vector.broadcast %sub3A_776 : f32 to vector<128x128xf32>
    %sub3A_778 = arith.subf %sub3A_775, %sub3A_777 : vector<128x128xf32>
    %and3A_779 = arith.constant 7 : i32
    %and3A_780 = vector.broadcast %and3A_779 : i32 to vector<128x128xi32>
    %and3A_781 = arith.andi %min3A_766, %and3A_780 : vector<128x128xi32>
    %select_n3A_782 = arith.select %xor3A_52, %and3A_781, %or3A_49 : vector<128x128xi1>, vector<128x128xi32>
    %shift_left3A_783 = arith.constant 5 : i32
    %shift_left3A_784 = vector.broadcast %shift_left3A_783 : i32 to vector<128x128xi32>
    %shift_left3A_785 = arith.shli %select_n3A_782, %shift_left3A_784 : vector<128x128xi32>
    %or3A_786 = arith.constant 18 : i32
    %or3A_787 = vector.broadcast %or3A_786 : i32 to vector<128x128xi32>
    %or3A_788 = arith.ori %shift_left3A_785, %or3A_787 : vector<128x128xi32>
    %gt3A_789 = arith.cmpf ogt, %sub3A_778, %select_n3A_759 : vector<128x128xf32>
    %eq3A_790 = arith.cmpf oeq, %sub3A_778, %select_n3A_759 : vector<128x128xf32>
    %lt3A_791 = arith.cmpi slt, %or3A_788, %select_n3A_760 : vector<128x128xi32>
    %and3A_792 = arith.andi %eq3A_790, %lt3A_791 : vector<128x128xi1>
    %or3A_793 = arith.ori %gt3A_789, %and3A_792 : vector<128x128xi1>
    %select_n3A_794 = arith.select %or3A_793, %sub3A_778, %select_n3A_759 : vector<128x128xi1>, vector<128x128xf32>
    %select_n3A_795 = arith.select %or3A_793, %or3A_788, %select_n3A_760 : vector<128x128xi1>, vector<128x128xi32>
    %add3A_796 = arith.addf %abs3A, %abs3A_26 : vector<128x128xf32>
    %add3A_797 = arith.addf %add3A_796, %abs3A_27 : vector<128x128xf32>
    %add3A_798 = arith.addf %add3A_797, %mul3A_76 : vector<128x128xf32>
    %min3A_799 = arith.minsi %or3A_80, %or3A_95 : vector<128x128xi32>
    %min3A_800 = arith.minsi %or3A_110, %or3A_135 : vector<128x128xi32>
    %min3A_801 = arith.minsi %min3A_799, %min3A_800 : vector<128x128xi32>
    %and3A_802 = arith.constant -8 : i32
    %and3A_803 = vector.broadcast %and3A_802 : i32 to vector<128x128xi32>
    %and3A_804 = arith.andi %min3A_801, %and3A_803 : vector<128x128xi32>
    %bitcast_convert_type3A_805 = tpu.bitcast %and3A_804 : vector<128x128xi32> -> vector<128x128xf32>
    %add3A_806 = arith.addf %bitcast_convert_type3A_805, %bitcast_convert_type3A_805 : vector<128x128xf32>
    %jit3A_807 = arith.constant 0.000000e+00 : f32
    %broadcast_in_dim3A_808 = vector.broadcast %jit3A_807 : f32 to vector<128x128xf32>
    %select_n3A_809 = arith.select %xor3A_52, %add3A_806, %broadcast_in_dim3A_808 : vector<128x128xi1>, vector<128x128xf32>
    %sub3A_810 = arith.subf %add3A_798, %select_n3A_809 : vector<128x128xf32>
    %sub3A_811 = arith.constant 7.000000e+00 : f32
    %sub3A_812 = vector.broadcast %sub3A_811 : f32 to vector<128x128xf32>
    %sub3A_813 = arith.subf %sub3A_810, %sub3A_812 : vector<128x128xf32>
    %and3A_814 = arith.constant 7 : i32
    %and3A_815 = vector.broadcast %and3A_814 : i32 to vector<128x128xi32>
    %and3A_816 = arith.andi %min3A_801, %and3A_815 : vector<128x128xi32>
    %select_n3A_817 = arith.select %xor3A_52, %and3A_816, %or3A_49 : vector<128x128xi1>, vector<128x128xi32>
    %shift_left3A_818 = arith.constant 5 : i32
    %shift_left3A_819 = vector.broadcast %shift_left3A_818 : i32 to vector<128x128xi32>
    %shift_left3A_820 = arith.shli %select_n3A_817, %shift_left3A_819 : vector<128x128xi32>
    %or3A_821 = arith.constant 19 : i32
    %or3A_822 = vector.broadcast %or3A_821 : i32 to vector<128x128xi32>
    %or3A_823 = arith.ori %shift_left3A_820, %or3A_822 : vector<128x128xi32>
    %gt3A_824 = arith.cmpf ogt, %sub3A_813, %select_n3A_794 : vector<128x128xf32>
    %eq3A_825 = arith.cmpf oeq, %sub3A_813, %select_n3A_794 : vector<128x128xf32>
    %lt3A_826 = arith.cmpi slt, %or3A_823, %select_n3A_795 : vector<128x128xi32>
    %and3A_827 = arith.andi %eq3A_825, %lt3A_826 : vector<128x128xi1>
    %or3A_828 = arith.ori %gt3A_824, %and3A_827 : vector<128x128xi1>
    %select_n3A_829 = arith.select %or3A_828, %sub3A_813, %select_n3A_794 : vector<128x128xi1>, vector<128x128xf32>
    %select_n3A_830 = arith.select %or3A_828, %or3A_823, %select_n3A_795 : vector<128x128xi1>, vector<128x128xi32>
    %add3A_831 = arith.addf %mul3A_55, %mul3A_64 : vector<128x128xf32>
    %add3A_832 = arith.addf %add3A_831, %abs3A_27 : vector<128x128xf32>
    %add3A_833 = arith.addf %add3A_832, %abs3A_28 : vector<128x128xf32>
    %min3A_834 = arith.minsi %or3A_85, %or3A_105 : vector<128x128xi32>
    %min3A_835 = arith.minsi %or3A_110, %or3A_125 : vector<128x128xi32>
    %min3A_836 = arith.minsi %min3A_834, %min3A_835 : vector<128x128xi32>
    %and3A_837 = arith.constant -8 : i32
    %and3A_838 = vector.broadcast %and3A_837 : i32 to vector<128x128xi32>
    %and3A_839 = arith.andi %min3A_836, %and3A_838 : vector<128x128xi32>
    %bitcast_convert_type3A_840 = tpu.bitcast %and3A_839 : vector<128x128xi32> -> vector<128x128xf32>
    %add3A_841 = arith.addf %bitcast_convert_type3A_840, %bitcast_convert_type3A_840 : vector<128x128xf32>
    %jit3A_842 = arith.constant 0.000000e+00 : f32
    %broadcast_in_dim3A_843 = vector.broadcast %jit3A_842 : f32 to vector<128x128xf32>
    %select_n3A_844 = arith.select %not3A_53, %add3A_841, %broadcast_in_dim3A_843 : vector<128x128xi1>, vector<128x128xf32>
    %sub3A_845 = arith.subf %add3A_833, %select_n3A_844 : vector<128x128xf32>
    %sub3A_846 = arith.constant 9.000000e+00 : f32
    %sub3A_847 = vector.broadcast %sub3A_846 : f32 to vector<128x128xf32>
    %sub3A_848 = arith.subf %sub3A_845, %sub3A_847 : vector<128x128xf32>
    %and3A_849 = arith.constant 7 : i32
    %and3A_850 = vector.broadcast %and3A_849 : i32 to vector<128x128xi32>
    %and3A_851 = arith.andi %min3A_836, %and3A_850 : vector<128x128xi32>
    %select_n3A_852 = arith.select %not3A_53, %and3A_851, %or3A_49 : vector<128x128xi1>, vector<128x128xi32>
    %shift_left3A_853 = arith.constant 5 : i32
    %shift_left3A_854 = vector.broadcast %shift_left3A_853 : i32 to vector<128x128xi32>
    %shift_left3A_855 = arith.shli %select_n3A_852, %shift_left3A_854 : vector<128x128xi32>
    %or3A_856 = arith.constant 20 : i32
    %or3A_857 = vector.broadcast %or3A_856 : i32 to vector<128x128xi32>
    %or3A_858 = arith.ori %shift_left3A_855, %or3A_857 : vector<128x128xi32>
    %gt3A_859 = arith.cmpf ogt, %sub3A_848, %select_n3A_829 : vector<128x128xf32>
    %eq3A_860 = arith.cmpf oeq, %sub3A_848, %select_n3A_829 : vector<128x128xf32>
    %lt3A_861 = arith.cmpi slt, %or3A_858, %select_n3A_830 : vector<128x128xi32>
    %and3A_862 = arith.andi %eq3A_860, %lt3A_861 : vector<128x128xi1>
    %or3A_863 = arith.ori %gt3A_859, %and3A_862 : vector<128x128xi1>
    %select_n3A_864 = arith.select %or3A_863, %sub3A_848, %select_n3A_829 : vector<128x128xi1>, vector<128x128xf32>
    %select_n3A_865 = arith.select %or3A_863, %or3A_858, %select_n3A_830 : vector<128x128xi1>, vector<128x128xi32>
    %add3A_866 = arith.addf %mul3A_58, %mul3A_61 : vector<128x128xf32>
    %add3A_867 = arith.addf %add3A_866, %abs3A_27 : vector<128x128xf32>
    %add3A_868 = arith.addf %add3A_867, %abs3A_28 : vector<128x128xf32>
    %min3A_869 = arith.minsi %or3A_90, %or3A_100 : vector<128x128xi32>
    %min3A_870 = arith.minsi %or3A_110, %or3A_125 : vector<128x128xi32>
    %min3A_871 = arith.minsi %min3A_869, %min3A_870 : vector<128x128xi32>
    %and3A_872 = arith.constant -8 : i32
    %and3A_873 = vector.broadcast %and3A_872 : i32 to vector<128x128xi32>
    %and3A_874 = arith.andi %min3A_871, %and3A_873 : vector<128x128xi32>
    %bitcast_convert_type3A_875 = tpu.bitcast %and3A_874 : vector<128x128xi32> -> vector<128x128xf32>
    %add3A_876 = arith.addf %bitcast_convert_type3A_875, %bitcast_convert_type3A_875 : vector<128x128xf32>
    %jit3A_877 = arith.constant 0.000000e+00 : f32
    %broadcast_in_dim3A_878 = vector.broadcast %jit3A_877 : f32 to vector<128x128xf32>
    %select_n3A_879 = arith.select %not3A_53, %add3A_876, %broadcast_in_dim3A_878 : vector<128x128xi1>, vector<128x128xf32>
    %sub3A_880 = arith.subf %add3A_868, %select_n3A_879 : vector<128x128xf32>
    %sub3A_881 = arith.constant 9.000000e+00 : f32
    %sub3A_882 = vector.broadcast %sub3A_881 : f32 to vector<128x128xf32>
    %sub3A_883 = arith.subf %sub3A_880, %sub3A_882 : vector<128x128xf32>
    %and3A_884 = arith.constant 7 : i32
    %and3A_885 = vector.broadcast %and3A_884 : i32 to vector<128x128xi32>
    %and3A_886 = arith.andi %min3A_871, %and3A_885 : vector<128x128xi32>
    %select_n3A_887 = arith.select %not3A_53, %and3A_886, %or3A_49 : vector<128x128xi1>, vector<128x128xi32>
    %shift_left3A_888 = arith.constant 5 : i32
    %shift_left3A_889 = vector.broadcast %shift_left3A_888 : i32 to vector<128x128xi32>
    %shift_left3A_890 = arith.shli %select_n3A_887, %shift_left3A_889 : vector<128x128xi32>
    %or3A_891 = arith.constant 21 : i32
    %or3A_892 = vector.broadcast %or3A_891 : i32 to vector<128x128xi32>
    %or3A_893 = arith.ori %shift_left3A_890, %or3A_892 : vector<128x128xi32>
    %gt3A_894 = arith.cmpf ogt, %sub3A_883, %select_n3A_864 : vector<128x128xf32>
    %eq3A_895 = arith.cmpf oeq, %sub3A_883, %select_n3A_864 : vector<128x128xf32>
    %lt3A_896 = arith.cmpi slt, %or3A_893, %select_n3A_865 : vector<128x128xi32>
    %and3A_897 = arith.andi %eq3A_895, %lt3A_896 : vector<128x128xi1>
    %or3A_898 = arith.ori %gt3A_894, %and3A_897 : vector<128x128xi1>
    %select_n3A_899 = arith.select %or3A_898, %sub3A_883, %select_n3A_864 : vector<128x128xi1>, vector<128x128xf32>
    %select_n3A_900 = arith.select %or3A_898, %or3A_893, %select_n3A_865 : vector<128x128xi1>, vector<128x128xi32>
    %add3A_901 = arith.addf %mul3A_58, %abs3A_26 : vector<128x128xf32>
    %add3A_902 = arith.addf %add3A_901, %mul3A_67 : vector<128x128xf32>
    %add3A_903 = arith.addf %add3A_902, %abs3A_28 : vector<128x128xf32>
    %min3A_904 = arith.minsi %or3A_90, %or3A_95 : vector<128x128xi32>
    %min3A_905 = arith.minsi %or3A_115, %or3A_125 : vector<128x128xi32>
    %min3A_906 = arith.minsi %min3A_904, %min3A_905 : vector<128x128xi32>
    %and3A_907 = arith.constant -8 : i32
    %and3A_908 = vector.broadcast %and3A_907 : i32 to vector<128x128xi32>
    %and3A_909 = arith.andi %min3A_906, %and3A_908 : vector<128x128xi32>
    %bitcast_convert_type3A_910 = tpu.bitcast %and3A_909 : vector<128x128xi32> -> vector<128x128xf32>
    %add3A_911 = arith.addf %bitcast_convert_type3A_910, %bitcast_convert_type3A_910 : vector<128x128xf32>
    %jit3A_912 = arith.constant 0.000000e+00 : f32
    %broadcast_in_dim3A_913 = vector.broadcast %jit3A_912 : f32 to vector<128x128xf32>
    %select_n3A_914 = arith.select %not3A_53, %add3A_911, %broadcast_in_dim3A_913 : vector<128x128xi1>, vector<128x128xf32>
    %sub3A_915 = arith.subf %add3A_903, %select_n3A_914 : vector<128x128xf32>
    %sub3A_916 = arith.constant 9.000000e+00 : f32
    %sub3A_917 = vector.broadcast %sub3A_916 : f32 to vector<128x128xf32>
    %sub3A_918 = arith.subf %sub3A_915, %sub3A_917 : vector<128x128xf32>
    %and3A_919 = arith.constant 7 : i32
    %and3A_920 = vector.broadcast %and3A_919 : i32 to vector<128x128xi32>
    %and3A_921 = arith.andi %min3A_906, %and3A_920 : vector<128x128xi32>
    %select_n3A_922 = arith.select %not3A_53, %and3A_921, %or3A_49 : vector<128x128xi1>, vector<128x128xi32>
    %shift_left3A_923 = arith.constant 5 : i32
    %shift_left3A_924 = vector.broadcast %shift_left3A_923 : i32 to vector<128x128xi32>
    %shift_left3A_925 = arith.shli %select_n3A_922, %shift_left3A_924 : vector<128x128xi32>
    %or3A_926 = arith.constant 22 : i32
    %or3A_927 = vector.broadcast %or3A_926 : i32 to vector<128x128xi32>
    %or3A_928 = arith.ori %shift_left3A_925, %or3A_927 : vector<128x128xi32>
    %gt3A_929 = arith.cmpf ogt, %sub3A_918, %select_n3A_899 : vector<128x128xf32>
    %eq3A_930 = arith.cmpf oeq, %sub3A_918, %select_n3A_899 : vector<128x128xf32>
    %lt3A_931 = arith.cmpi slt, %or3A_928, %select_n3A_900 : vector<128x128xi32>
    %and3A_932 = arith.andi %eq3A_930, %lt3A_931 : vector<128x128xi1>
    %or3A_933 = arith.ori %gt3A_929, %and3A_932 : vector<128x128xi1>
    %select_n3A_934 = arith.select %or3A_933, %sub3A_918, %select_n3A_899 : vector<128x128xi1>, vector<128x128xf32>
    %select_n3A_935 = arith.select %or3A_933, %or3A_928, %select_n3A_900 : vector<128x128xi1>, vector<128x128xi32>
    %add3A_936 = arith.addf %mul3A_58, %abs3A_26 : vector<128x128xf32>
    %add3A_937 = arith.addf %add3A_936, %abs3A_27 : vector<128x128xf32>
    %add3A_938 = arith.addf %add3A_937, %mul3A_73 : vector<128x128xf32>
    %min3A_939 = arith.minsi %or3A_90, %or3A_95 : vector<128x128xi32>
    %min3A_940 = arith.minsi %or3A_110, %or3A_130 : vector<128x128xi32>
    %min3A_941 = arith.minsi %min3A_939, %min3A_940 : vector<128x128xi32>
    %and3A_942 = arith.constant -8 : i32
    %and3A_943 = vector.broadcast %and3A_942 : i32 to vector<128x128xi32>
    %and3A_944 = arith.andi %min3A_941, %and3A_943 : vector<128x128xi32>
    %bitcast_convert_type3A_945 = tpu.bitcast %and3A_944 : vector<128x128xi32> -> vector<128x128xf32>
    %add3A_946 = arith.addf %bitcast_convert_type3A_945, %bitcast_convert_type3A_945 : vector<128x128xf32>
    %jit3A_947 = arith.constant 0.000000e+00 : f32
    %broadcast_in_dim3A_948 = vector.broadcast %jit3A_947 : f32 to vector<128x128xf32>
    %select_n3A_949 = arith.select %not3A_53, %add3A_946, %broadcast_in_dim3A_948 : vector<128x128xi1>, vector<128x128xf32>
    %sub3A_950 = arith.subf %add3A_938, %select_n3A_949 : vector<128x128xf32>
    %sub3A_951 = arith.constant 9.000000e+00 : f32
    %sub3A_952 = vector.broadcast %sub3A_951 : f32 to vector<128x128xf32>
    %sub3A_953 = arith.subf %sub3A_950, %sub3A_952 : vector<128x128xf32>
    %and3A_954 = arith.constant 7 : i32
    %and3A_955 = vector.broadcast %and3A_954 : i32 to vector<128x128xi32>
    %and3A_956 = arith.andi %min3A_941, %and3A_955 : vector<128x128xi32>
    %select_n3A_957 = arith.select %not3A_53, %and3A_956, %or3A_49 : vector<128x128xi1>, vector<128x128xi32>
    %shift_left3A_958 = arith.constant 5 : i32
    %shift_left3A_959 = vector.broadcast %shift_left3A_958 : i32 to vector<128x128xi32>
    %shift_left3A_960 = arith.shli %select_n3A_957, %shift_left3A_959 : vector<128x128xi32>
    %or3A_961 = arith.constant 23 : i32
    %or3A_962 = vector.broadcast %or3A_961 : i32 to vector<128x128xi32>
    %or3A_963 = arith.ori %shift_left3A_960, %or3A_962 : vector<128x128xi32>
    %gt3A_964 = arith.cmpf ogt, %sub3A_953, %select_n3A_934 : vector<128x128xf32>
    %eq3A_965 = arith.cmpf oeq, %sub3A_953, %select_n3A_934 : vector<128x128xf32>
    %lt3A_966 = arith.cmpi slt, %or3A_963, %select_n3A_935 : vector<128x128xi32>
    %and3A_967 = arith.andi %eq3A_965, %lt3A_966 : vector<128x128xi1>
    %or3A_968 = arith.ori %gt3A_964, %and3A_967 : vector<128x128xi1>
    %select_n3A_969 = arith.select %or3A_968, %sub3A_953, %select_n3A_934 : vector<128x128xi1>, vector<128x128xf32>
    %select_n3A_970 = arith.select %or3A_968, %or3A_963, %select_n3A_935 : vector<128x128xi1>, vector<128x128xi32>
    %add3A_971 = arith.addf %mul3A_55, %abs3A_26 : vector<128x128xf32>
    %add3A_972 = arith.addf %add3A_971, %mul3A_70 : vector<128x128xf32>
    %add3A_973 = arith.addf %add3A_972, %abs3A_28 : vector<128x128xf32>
    %min3A_974 = arith.minsi %or3A_85, %or3A_95 : vector<128x128xi32>
    %min3A_975 = arith.minsi %or3A_120, %or3A_125 : vector<128x128xi32>
    %min3A_976 = arith.minsi %min3A_974, %min3A_975 : vector<128x128xi32>
    %and3A_977 = arith.constant -8 : i32
    %and3A_978 = vector.broadcast %and3A_977 : i32 to vector<128x128xi32>
    %and3A_979 = arith.andi %min3A_976, %and3A_978 : vector<128x128xi32>
    %bitcast_convert_type3A_980 = tpu.bitcast %and3A_979 : vector<128x128xi32> -> vector<128x128xf32>
    %add3A_981 = arith.addf %bitcast_convert_type3A_980, %bitcast_convert_type3A_980 : vector<128x128xf32>
    %jit3A_982 = arith.constant 0.000000e+00 : f32
    %broadcast_in_dim3A_983 = vector.broadcast %jit3A_982 : f32 to vector<128x128xf32>
    %select_n3A_984 = arith.select %not3A_53, %add3A_981, %broadcast_in_dim3A_983 : vector<128x128xi1>, vector<128x128xf32>
    %sub3A_985 = arith.subf %add3A_973, %select_n3A_984 : vector<128x128xf32>
    %sub3A_986 = arith.constant 9.000000e+00 : f32
    %sub3A_987 = vector.broadcast %sub3A_986 : f32 to vector<128x128xf32>
    %sub3A_988 = arith.subf %sub3A_985, %sub3A_987 : vector<128x128xf32>
    %and3A_989 = arith.constant 7 : i32
    %and3A_990 = vector.broadcast %and3A_989 : i32 to vector<128x128xi32>
    %and3A_991 = arith.andi %min3A_976, %and3A_990 : vector<128x128xi32>
    %select_n3A_992 = arith.select %not3A_53, %and3A_991, %or3A_49 : vector<128x128xi1>, vector<128x128xi32>
    %shift_left3A_993 = arith.constant 5 : i32
    %shift_left3A_994 = vector.broadcast %shift_left3A_993 : i32 to vector<128x128xi32>
    %shift_left3A_995 = arith.shli %select_n3A_992, %shift_left3A_994 : vector<128x128xi32>
    %or3A_996 = arith.constant 24 : i32
    %or3A_997 = vector.broadcast %or3A_996 : i32 to vector<128x128xi32>
    %or3A_998 = arith.ori %shift_left3A_995, %or3A_997 : vector<128x128xi32>
    %gt3A_999 = arith.cmpf ogt, %sub3A_988, %select_n3A_969 : vector<128x128xf32>
    %eq3A_1000 = arith.cmpf oeq, %sub3A_988, %select_n3A_969 : vector<128x128xf32>
    %lt3A_1001 = arith.cmpi slt, %or3A_998, %select_n3A_970 : vector<128x128xi32>
    %and3A_1002 = arith.andi %eq3A_1000, %lt3A_1001 : vector<128x128xi1>
    %or3A_1003 = arith.ori %gt3A_999, %and3A_1002 : vector<128x128xi1>
    %select_n3A_1004 = arith.select %or3A_1003, %sub3A_988, %select_n3A_969 : vector<128x128xi1>, vector<128x128xf32>
    %select_n3A_1005 = arith.select %or3A_1003, %or3A_998, %select_n3A_970 : vector<128x128xi1>, vector<128x128xi32>
    %add3A_1006 = arith.addf %abs3A, %mul3A_61 : vector<128x128xf32>
    %add3A_1007 = arith.addf %add3A_1006, %mul3A_70 : vector<128x128xf32>
    %add3A_1008 = arith.addf %add3A_1007, %abs3A_28 : vector<128x128xf32>
    %min3A_1009 = arith.minsi %or3A_80, %or3A_100 : vector<128x128xi32>
    %min3A_1010 = arith.minsi %or3A_120, %or3A_125 : vector<128x128xi32>
    %min3A_1011 = arith.minsi %min3A_1009, %min3A_1010 : vector<128x128xi32>
    %and3A_1012 = arith.constant -8 : i32
    %and3A_1013 = vector.broadcast %and3A_1012 : i32 to vector<128x128xi32>
    %and3A_1014 = arith.andi %min3A_1011, %and3A_1013 : vector<128x128xi32>
    %bitcast_convert_type3A_1015 = tpu.bitcast %and3A_1014 : vector<128x128xi32> -> vector<128x128xf32>
    %add3A_1016 = arith.addf %bitcast_convert_type3A_1015, %bitcast_convert_type3A_1015 : vector<128x128xf32>
    %jit3A_1017 = arith.constant 0.000000e+00 : f32
    %broadcast_in_dim3A_1018 = vector.broadcast %jit3A_1017 : f32 to vector<128x128xf32>
    %select_n3A_1019 = arith.select %not3A_53, %add3A_1016, %broadcast_in_dim3A_1018 : vector<128x128xi1>, vector<128x128xf32>
    %sub3A_1020 = arith.subf %add3A_1008, %select_n3A_1019 : vector<128x128xf32>
    %sub3A_1021 = arith.constant 9.000000e+00 : f32
    %sub3A_1022 = vector.broadcast %sub3A_1021 : f32 to vector<128x128xf32>
    %sub3A_1023 = arith.subf %sub3A_1020, %sub3A_1022 : vector<128x128xf32>
    %and3A_1024 = arith.constant 7 : i32
    %and3A_1025 = vector.broadcast %and3A_1024 : i32 to vector<128x128xi32>
    %and3A_1026 = arith.andi %min3A_1011, %and3A_1025 : vector<128x128xi32>
    %select_n3A_1027 = arith.select %not3A_53, %and3A_1026, %or3A_49 : vector<128x128xi1>, vector<128x128xi32>
    %shift_left3A_1028 = arith.constant 5 : i32
    %shift_left3A_1029 = vector.broadcast %shift_left3A_1028 : i32 to vector<128x128xi32>
    %shift_left3A_1030 = arith.shli %select_n3A_1027, %shift_left3A_1029 : vector<128x128xi32>
    %or3A_1031 = arith.constant 25 : i32
    %or3A_1032 = vector.broadcast %or3A_1031 : i32 to vector<128x128xi32>
    %or3A_1033 = arith.ori %shift_left3A_1030, %or3A_1032 : vector<128x128xi32>
    %gt3A_1034 = arith.cmpf ogt, %sub3A_1023, %select_n3A_1004 : vector<128x128xf32>
    %eq3A_1035 = arith.cmpf oeq, %sub3A_1023, %select_n3A_1004 : vector<128x128xf32>
    %lt3A_1036 = arith.cmpi slt, %or3A_1033, %select_n3A_1005 : vector<128x128xi32>
    %and3A_1037 = arith.andi %eq3A_1035, %lt3A_1036 : vector<128x128xi1>
    %or3A_1038 = arith.ori %gt3A_1034, %and3A_1037 : vector<128x128xi1>
    %select_n3A_1039 = arith.select %or3A_1038, %sub3A_1023, %select_n3A_1004 : vector<128x128xi1>, vector<128x128xf32>
    %select_n3A_1040 = arith.select %or3A_1038, %or3A_1033, %select_n3A_1005 : vector<128x128xi1>, vector<128x128xi32>
    %add3A_1041 = arith.addf %abs3A, %mul3A_64 : vector<128x128xf32>
    %add3A_1042 = arith.addf %add3A_1041, %mul3A_67 : vector<128x128xf32>
    %add3A_1043 = arith.addf %add3A_1042, %abs3A_28 : vector<128x128xf32>
    %min3A_1044 = arith.minsi %or3A_80, %or3A_105 : vector<128x128xi32>
    %min3A_1045 = arith.minsi %or3A_115, %or3A_125 : vector<128x128xi32>
    %min3A_1046 = arith.minsi %min3A_1044, %min3A_1045 : vector<128x128xi32>
    %and3A_1047 = arith.constant -8 : i32
    %and3A_1048 = vector.broadcast %and3A_1047 : i32 to vector<128x128xi32>
    %and3A_1049 = arith.andi %min3A_1046, %and3A_1048 : vector<128x128xi32>
    %bitcast_convert_type3A_1050 = tpu.bitcast %and3A_1049 : vector<128x128xi32> -> vector<128x128xf32>
    %add3A_1051 = arith.addf %bitcast_convert_type3A_1050, %bitcast_convert_type3A_1050 : vector<128x128xf32>
    %jit3A_1052 = arith.constant 0.000000e+00 : f32
    %broadcast_in_dim3A_1053 = vector.broadcast %jit3A_1052 : f32 to vector<128x128xf32>
    %select_n3A_1054 = arith.select %not3A_53, %add3A_1051, %broadcast_in_dim3A_1053 : vector<128x128xi1>, vector<128x128xf32>
    %sub3A_1055 = arith.subf %add3A_1043, %select_n3A_1054 : vector<128x128xf32>
    %sub3A_1056 = arith.constant 9.000000e+00 : f32
    %sub3A_1057 = vector.broadcast %sub3A_1056 : f32 to vector<128x128xf32>
    %sub3A_1058 = arith.subf %sub3A_1055, %sub3A_1057 : vector<128x128xf32>
    %and3A_1059 = arith.constant 7 : i32
    %and3A_1060 = vector.broadcast %and3A_1059 : i32 to vector<128x128xi32>
    %and3A_1061 = arith.andi %min3A_1046, %and3A_1060 : vector<128x128xi32>
    %select_n3A_1062 = arith.select %not3A_53, %and3A_1061, %or3A_49 : vector<128x128xi1>, vector<128x128xi32>
    %shift_left3A_1063 = arith.constant 5 : i32
    %shift_left3A_1064 = vector.broadcast %shift_left3A_1063 : i32 to vector<128x128xi32>
    %shift_left3A_1065 = arith.shli %select_n3A_1062, %shift_left3A_1064 : vector<128x128xi32>
    %or3A_1066 = arith.constant 26 : i32
    %or3A_1067 = vector.broadcast %or3A_1066 : i32 to vector<128x128xi32>
    %or3A_1068 = arith.ori %shift_left3A_1065, %or3A_1067 : vector<128x128xi32>
    %gt3A_1069 = arith.cmpf ogt, %sub3A_1058, %select_n3A_1039 : vector<128x128xf32>
    %eq3A_1070 = arith.cmpf oeq, %sub3A_1058, %select_n3A_1039 : vector<128x128xf32>
    %lt3A_1071 = arith.cmpi slt, %or3A_1068, %select_n3A_1040 : vector<128x128xi32>
    %and3A_1072 = arith.andi %eq3A_1070, %lt3A_1071 : vector<128x128xi1>
    %or3A_1073 = arith.ori %gt3A_1069, %and3A_1072 : vector<128x128xi1>
    %select_n3A_1074 = arith.select %or3A_1073, %sub3A_1058, %select_n3A_1039 : vector<128x128xi1>, vector<128x128xf32>
    %select_n3A_1075 = arith.select %or3A_1073, %or3A_1068, %select_n3A_1040 : vector<128x128xi1>, vector<128x128xi32>
    %add3A_1076 = arith.addf %abs3A, %mul3A_64 : vector<128x128xf32>
    %add3A_1077 = arith.addf %add3A_1076, %abs3A_27 : vector<128x128xf32>
    %add3A_1078 = arith.addf %add3A_1077, %mul3A_73 : vector<128x128xf32>
    %min3A_1079 = arith.minsi %or3A_80, %or3A_105 : vector<128x128xi32>
    %min3A_1080 = arith.minsi %or3A_110, %or3A_130 : vector<128x128xi32>
    %min3A_1081 = arith.minsi %min3A_1079, %min3A_1080 : vector<128x128xi32>
    %and3A_1082 = arith.constant -8 : i32
    %and3A_1083 = vector.broadcast %and3A_1082 : i32 to vector<128x128xi32>
    %and3A_1084 = arith.andi %min3A_1081, %and3A_1083 : vector<128x128xi32>
    %bitcast_convert_type3A_1085 = tpu.bitcast %and3A_1084 : vector<128x128xi32> -> vector<128x128xf32>
    %add3A_1086 = arith.addf %bitcast_convert_type3A_1085, %bitcast_convert_type3A_1085 : vector<128x128xf32>
    %jit3A_1087 = arith.constant 0.000000e+00 : f32
    %broadcast_in_dim3A_1088 = vector.broadcast %jit3A_1087 : f32 to vector<128x128xf32>
    %select_n3A_1089 = arith.select %not3A_53, %add3A_1086, %broadcast_in_dim3A_1088 : vector<128x128xi1>, vector<128x128xf32>
    %sub3A_1090 = arith.subf %add3A_1078, %select_n3A_1089 : vector<128x128xf32>
    %sub3A_1091 = arith.constant 9.000000e+00 : f32
    %sub3A_1092 = vector.broadcast %sub3A_1091 : f32 to vector<128x128xf32>
    %sub3A_1093 = arith.subf %sub3A_1090, %sub3A_1092 : vector<128x128xf32>
    %and3A_1094 = arith.constant 7 : i32
    %and3A_1095 = vector.broadcast %and3A_1094 : i32 to vector<128x128xi32>
    %and3A_1096 = arith.andi %min3A_1081, %and3A_1095 : vector<128x128xi32>
    %select_n3A_1097 = arith.select %not3A_53, %and3A_1096, %or3A_49 : vector<128x128xi1>, vector<128x128xi32>
    %shift_left3A_1098 = arith.constant 5 : i32
    %shift_left3A_1099 = vector.broadcast %shift_left3A_1098 : i32 to vector<128x128xi32>
    %shift_left3A_1100 = arith.shli %select_n3A_1097, %shift_left3A_1099 : vector<128x128xi32>
    %or3A_1101 = arith.constant 27 : i32
    %or3A_1102 = vector.broadcast %or3A_1101 : i32 to vector<128x128xi32>
    %or3A_1103 = arith.ori %shift_left3A_1100, %or3A_1102 : vector<128x128xi32>
    %gt3A_1104 = arith.cmpf ogt, %sub3A_1093, %select_n3A_1074 : vector<128x128xf32>
    %eq3A_1105 = arith.cmpf oeq, %sub3A_1093, %select_n3A_1074 : vector<128x128xf32>
    %lt3A_1106 = arith.cmpi slt, %or3A_1103, %select_n3A_1075 : vector<128x128xi32>
    %and3A_1107 = arith.andi %eq3A_1105, %lt3A_1106 : vector<128x128xi1>
    %or3A_1108 = arith.ori %gt3A_1104, %and3A_1107 : vector<128x128xi1>
    %select_n3A_1109 = arith.select %or3A_1108, %sub3A_1093, %select_n3A_1074 : vector<128x128xi1>, vector<128x128xf32>
    %select_n3A_1110 = arith.select %or3A_1108, %or3A_1103, %select_n3A_1075 : vector<128x128xi1>, vector<128x128xi32>
    %add3A_1111 = arith.addf %mul3A_55, %abs3A_26 : vector<128x128xf32>
    %add3A_1112 = arith.addf %add3A_1111, %abs3A_27 : vector<128x128xf32>
    %add3A_1113 = arith.addf %add3A_1112, %mul3A_76 : vector<128x128xf32>
    %min3A_1114 = arith.minsi %or3A_85, %or3A_95 : vector<128x128xi32>
    %min3A_1115 = arith.minsi %or3A_110, %or3A_135 : vector<128x128xi32>
    %min3A_1116 = arith.minsi %min3A_1114, %min3A_1115 : vector<128x128xi32>
    %and3A_1117 = arith.constant -8 : i32
    %and3A_1118 = vector.broadcast %and3A_1117 : i32 to vector<128x128xi32>
    %and3A_1119 = arith.andi %min3A_1116, %and3A_1118 : vector<128x128xi32>
    %bitcast_convert_type3A_1120 = tpu.bitcast %and3A_1119 : vector<128x128xi32> -> vector<128x128xf32>
    %add3A_1121 = arith.addf %bitcast_convert_type3A_1120, %bitcast_convert_type3A_1120 : vector<128x128xf32>
    %jit3A_1122 = arith.constant 0.000000e+00 : f32
    %broadcast_in_dim3A_1123 = vector.broadcast %jit3A_1122 : f32 to vector<128x128xf32>
    %select_n3A_1124 = arith.select %not3A_53, %add3A_1121, %broadcast_in_dim3A_1123 : vector<128x128xi1>, vector<128x128xf32>
    %sub3A_1125 = arith.subf %add3A_1113, %select_n3A_1124 : vector<128x128xf32>
    %sub3A_1126 = arith.constant 9.000000e+00 : f32
    %sub3A_1127 = vector.broadcast %sub3A_1126 : f32 to vector<128x128xf32>
    %sub3A_1128 = arith.subf %sub3A_1125, %sub3A_1127 : vector<128x128xf32>
    %and3A_1129 = arith.constant 7 : i32
    %and3A_1130 = vector.broadcast %and3A_1129 : i32 to vector<128x128xi32>
    %and3A_1131 = arith.andi %min3A_1116, %and3A_1130 : vector<128x128xi32>
    %select_n3A_1132 = arith.select %not3A_53, %and3A_1131, %or3A_49 : vector<128x128xi1>, vector<128x128xi32>
    %shift_left3A_1133 = arith.constant 5 : i32
    %shift_left3A_1134 = vector.broadcast %shift_left3A_1133 : i32 to vector<128x128xi32>
    %shift_left3A_1135 = arith.shli %select_n3A_1132, %shift_left3A_1134 : vector<128x128xi32>
    %or3A_1136 = arith.constant 28 : i32
    %or3A_1137 = vector.broadcast %or3A_1136 : i32 to vector<128x128xi32>
    %or3A_1138 = arith.ori %shift_left3A_1135, %or3A_1137 : vector<128x128xi32>
    %gt3A_1139 = arith.cmpf ogt, %sub3A_1128, %select_n3A_1109 : vector<128x128xf32>
    %eq3A_1140 = arith.cmpf oeq, %sub3A_1128, %select_n3A_1109 : vector<128x128xf32>
    %lt3A_1141 = arith.cmpi slt, %or3A_1138, %select_n3A_1110 : vector<128x128xi32>
    %and3A_1142 = arith.andi %eq3A_1140, %lt3A_1141 : vector<128x128xi1>
    %or3A_1143 = arith.ori %gt3A_1139, %and3A_1142 : vector<128x128xi1>
    %select_n3A_1144 = arith.select %or3A_1143, %sub3A_1128, %select_n3A_1109 : vector<128x128xi1>, vector<128x128xf32>
    %select_n3A_1145 = arith.select %or3A_1143, %or3A_1138, %select_n3A_1110 : vector<128x128xi1>, vector<128x128xi32>
    %add3A_1146 = arith.addf %abs3A, %mul3A_61 : vector<128x128xf32>
    %add3A_1147 = arith.addf %add3A_1146, %abs3A_27 : vector<128x128xf32>
    %add3A_1148 = arith.addf %add3A_1147, %mul3A_76 : vector<128x128xf32>
    %min3A_1149 = arith.minsi %or3A_80, %or3A_100 : vector<128x128xi32>
    %min3A_1150 = arith.minsi %or3A_110, %or3A_135 : vector<128x128xi32>
    %min3A_1151 = arith.minsi %min3A_1149, %min3A_1150 : vector<128x128xi32>
    %and3A_1152 = arith.constant -8 : i32
    %and3A_1153 = vector.broadcast %and3A_1152 : i32 to vector<128x128xi32>
    %and3A_1154 = arith.andi %min3A_1151, %and3A_1153 : vector<128x128xi32>
    %bitcast_convert_type3A_1155 = tpu.bitcast %and3A_1154 : vector<128x128xi32> -> vector<128x128xf32>
    %add3A_1156 = arith.addf %bitcast_convert_type3A_1155, %bitcast_convert_type3A_1155 : vector<128x128xf32>
    %jit3A_1157 = arith.constant 0.000000e+00 : f32
    %broadcast_in_dim3A_1158 = vector.broadcast %jit3A_1157 : f32 to vector<128x128xf32>
    %select_n3A_1159 = arith.select %not3A_53, %add3A_1156, %broadcast_in_dim3A_1158 : vector<128x128xi1>, vector<128x128xf32>
    %sub3A_1160 = arith.subf %add3A_1148, %select_n3A_1159 : vector<128x128xf32>
    %sub3A_1161 = arith.constant 9.000000e+00 : f32
    %sub3A_1162 = vector.broadcast %sub3A_1161 : f32 to vector<128x128xf32>
    %sub3A_1163 = arith.subf %sub3A_1160, %sub3A_1162 : vector<128x128xf32>
    %and3A_1164 = arith.constant 7 : i32
    %and3A_1165 = vector.broadcast %and3A_1164 : i32 to vector<128x128xi32>
    %and3A_1166 = arith.andi %min3A_1151, %and3A_1165 : vector<128x128xi32>
    %select_n3A_1167 = arith.select %not3A_53, %and3A_1166, %or3A_49 : vector<128x128xi1>, vector<128x128xi32>
    %shift_left3A_1168 = arith.constant 5 : i32
    %shift_left3A_1169 = vector.broadcast %shift_left3A_1168 : i32 to vector<128x128xi32>
    %shift_left3A_1170 = arith.shli %select_n3A_1167, %shift_left3A_1169 : vector<128x128xi32>
    %or3A_1171 = arith.constant 29 : i32
    %or3A_1172 = vector.broadcast %or3A_1171 : i32 to vector<128x128xi32>
    %or3A_1173 = arith.ori %shift_left3A_1170, %or3A_1172 : vector<128x128xi32>
    %gt3A_1174 = arith.cmpf ogt, %sub3A_1163, %select_n3A_1144 : vector<128x128xf32>
    %eq3A_1175 = arith.cmpf oeq, %sub3A_1163, %select_n3A_1144 : vector<128x128xf32>
    %lt3A_1176 = arith.cmpi slt, %or3A_1173, %select_n3A_1145 : vector<128x128xi32>
    %and3A_1177 = arith.andi %eq3A_1175, %lt3A_1176 : vector<128x128xi1>
    %or3A_1178 = arith.ori %gt3A_1174, %and3A_1177 : vector<128x128xi1>
    %select_n3A_1179 = arith.select %or3A_1178, %sub3A_1163, %select_n3A_1144 : vector<128x128xi1>, vector<128x128xf32>
    %select_n3A_1180 = arith.select %or3A_1178, %or3A_1173, %select_n3A_1145 : vector<128x128xi1>, vector<128x128xi32>
    %add3A_1181 = arith.addf %abs3A, %abs3A_26 : vector<128x128xf32>
    %add3A_1182 = arith.addf %add3A_1181, %mul3A_67 : vector<128x128xf32>
    %add3A_1183 = arith.addf %add3A_1182, %mul3A_76 : vector<128x128xf32>
    %min3A_1184 = arith.minsi %or3A_80, %or3A_95 : vector<128x128xi32>
    %min3A_1185 = arith.minsi %or3A_115, %or3A_135 : vector<128x128xi32>
    %min3A_1186 = arith.minsi %min3A_1184, %min3A_1185 : vector<128x128xi32>
    %and3A_1187 = arith.constant -8 : i32
    %and3A_1188 = vector.broadcast %and3A_1187 : i32 to vector<128x128xi32>
    %and3A_1189 = arith.andi %min3A_1186, %and3A_1188 : vector<128x128xi32>
    %bitcast_convert_type3A_1190 = tpu.bitcast %and3A_1189 : vector<128x128xi32> -> vector<128x128xf32>
    %add3A_1191 = arith.addf %bitcast_convert_type3A_1190, %bitcast_convert_type3A_1190 : vector<128x128xf32>
    %jit3A_1192 = arith.constant 0.000000e+00 : f32
    %broadcast_in_dim3A_1193 = vector.broadcast %jit3A_1192 : f32 to vector<128x128xf32>
    %select_n3A_1194 = arith.select %not3A_53, %add3A_1191, %broadcast_in_dim3A_1193 : vector<128x128xi1>, vector<128x128xf32>
    %sub3A_1195 = arith.subf %add3A_1183, %select_n3A_1194 : vector<128x128xf32>
    %sub3A_1196 = arith.constant 9.000000e+00 : f32
    %sub3A_1197 = vector.broadcast %sub3A_1196 : f32 to vector<128x128xf32>
    %sub3A_1198 = arith.subf %sub3A_1195, %sub3A_1197 : vector<128x128xf32>
    %and3A_1199 = arith.constant 7 : i32
    %and3A_1200 = vector.broadcast %and3A_1199 : i32 to vector<128x128xi32>
    %and3A_1201 = arith.andi %min3A_1186, %and3A_1200 : vector<128x128xi32>
    %select_n3A_1202 = arith.select %not3A_53, %and3A_1201, %or3A_49 : vector<128x128xi1>, vector<128x128xi32>
    %shift_left3A_1203 = arith.constant 5 : i32
    %shift_left3A_1204 = vector.broadcast %shift_left3A_1203 : i32 to vector<128x128xi32>
    %shift_left3A_1205 = arith.shli %select_n3A_1202, %shift_left3A_1204 : vector<128x128xi32>
    %or3A_1206 = arith.constant 30 : i32
    %or3A_1207 = vector.broadcast %or3A_1206 : i32 to vector<128x128xi32>
    %or3A_1208 = arith.ori %shift_left3A_1205, %or3A_1207 : vector<128x128xi32>
    %gt3A_1209 = arith.cmpf ogt, %sub3A_1198, %select_n3A_1179 : vector<128x128xf32>
    %eq3A_1210 = arith.cmpf oeq, %sub3A_1198, %select_n3A_1179 : vector<128x128xf32>
    %lt3A_1211 = arith.cmpi slt, %or3A_1208, %select_n3A_1180 : vector<128x128xi32>
    %and3A_1212 = arith.andi %eq3A_1210, %lt3A_1211 : vector<128x128xi1>
    %or3A_1213 = arith.ori %gt3A_1209, %and3A_1212 : vector<128x128xi1>
    %select_n3A_1214 = arith.select %or3A_1213, %sub3A_1198, %select_n3A_1179 : vector<128x128xi1>, vector<128x128xf32>
    %select_n3A_1215 = arith.select %or3A_1213, %or3A_1208, %select_n3A_1180 : vector<128x128xi1>, vector<128x128xi32>
    %add3A_1216 = arith.addf %abs3A, %abs3A_26 : vector<128x128xf32>
    %add3A_1217 = arith.addf %add3A_1216, %mul3A_70 : vector<128x128xf32>
    %add3A_1218 = arith.addf %add3A_1217, %mul3A_73 : vector<128x128xf32>
    %min3A_1219 = arith.minsi %or3A_80, %or3A_95 : vector<128x128xi32>
    %min3A_1220 = arith.minsi %or3A_120, %or3A_130 : vector<128x128xi32>
    %min3A_1221 = arith.minsi %min3A_1219, %min3A_1220 : vector<128x128xi32>
    %and3A_1222 = arith.constant -8 : i32
    %and3A_1223 = vector.broadcast %and3A_1222 : i32 to vector<128x128xi32>
    %and3A_1224 = arith.andi %min3A_1221, %and3A_1223 : vector<128x128xi32>
    %bitcast_convert_type3A_1225 = tpu.bitcast %and3A_1224 : vector<128x128xi32> -> vector<128x128xf32>
    %add3A_1226 = arith.addf %bitcast_convert_type3A_1225, %bitcast_convert_type3A_1225 : vector<128x128xf32>
    %jit3A_1227 = arith.constant 0.000000e+00 : f32
    %broadcast_in_dim3A_1228 = vector.broadcast %jit3A_1227 : f32 to vector<128x128xf32>
    %select_n3A_1229 = arith.select %not3A_53, %add3A_1226, %broadcast_in_dim3A_1228 : vector<128x128xi1>, vector<128x128xf32>
    %sub3A_1230 = arith.subf %add3A_1218, %select_n3A_1229 : vector<128x128xf32>
    %sub3A_1231 = arith.constant 9.000000e+00 : f32
    %sub3A_1232 = vector.broadcast %sub3A_1231 : f32 to vector<128x128xf32>
    %sub3A_1233 = arith.subf %sub3A_1230, %sub3A_1232 : vector<128x128xf32>
    %and3A_1234 = arith.constant 7 : i32
    %and3A_1235 = vector.broadcast %and3A_1234 : i32 to vector<128x128xi32>
    %and3A_1236 = arith.andi %min3A_1221, %and3A_1235 : vector<128x128xi32>
    %select_n3A_1237 = arith.select %not3A_53, %and3A_1236, %or3A_49 : vector<128x128xi1>, vector<128x128xi32>
    %shift_left3A_1238 = arith.constant 5 : i32
    %shift_left3A_1239 = vector.broadcast %shift_left3A_1238 : i32 to vector<128x128xi32>
    %shift_left3A_1240 = arith.shli %select_n3A_1237, %shift_left3A_1239 : vector<128x128xi32>
    %or3A_1241 = arith.constant 31 : i32
    %or3A_1242 = vector.broadcast %or3A_1241 : i32 to vector<128x128xi32>
    %or3A_1243 = arith.ori %shift_left3A_1240, %or3A_1242 : vector<128x128xi32>
    %gt3A_1244 = arith.cmpf ogt, %sub3A_1233, %select_n3A_1214 : vector<128x128xf32>
    %eq3A_1245 = arith.cmpf oeq, %sub3A_1233, %select_n3A_1214 : vector<128x128xf32>
    %lt3A_1246 = arith.cmpi slt, %or3A_1243, %select_n3A_1215 : vector<128x128xi32>
    %and3A_1247 = arith.andi %eq3A_1245, %lt3A_1246 : vector<128x128xi1>
    %or3A_1248 = arith.ori %gt3A_1244, %and3A_1247 : vector<128x128xi1>
    %select_n3A_1249 = arith.select %or3A_1248, %or3A_1243, %select_n3A_1215 : vector<128x128xi1>, vector<128x128xi32>
    %swap3A = arith.constant 0 : index
    %swap3A_1250 = arith.constant 0 : index
    %swap3A_1251 = arith.constant 0 : index
    %swap3A_1252 = vector.load %arg2[%swap3A, %swap3A_1250, %swap3A_1251] : memref<1x128x128xi32, #tpu.memory_space<vmem>>, vector<1x128x128xi32>
    %swap3A_1253 = vector.shape_cast %swap3A_1252 : vector<1x128x128xi32> to vector<128x128xi32>
    %swap3A_1254 = vector.shape_cast %select_n3A_1249 : vector<128x128xi32> to vector<1x128x128xi32>
    tpu.vector_store %arg2[%swap3A, %swap3A_1250, %swap3A_1251], %swap3A_1254 {strides = array<i32>} : memref<1x128x128xi32, #tpu.memory_space<vmem>>, vector<1x128x128xi32>,
    return
  }
  func.func @transform_0(%arg0: i32) -> (i32, i32, i32, i32) {
    %c0_i32 = arith.constant 0 : i32
    %c0_i32_0 = arith.constant 0 : i32
    %c0_i32_1 = arith.constant 0 : i32
    %c0_i32_2 = arith.constant 0 : i32
    return %c0_i32, %arg0, %c0_i32_0, %c0_i32_1 : i32, i32, i32, i32
  }
  func.func @transform_1(%arg0: i32) -> (i32, i32, i32) {
    %c0_i32 = arith.constant 0 : i32
    %c0_i32_0 = arith.constant 0 : i32
    %c0_i32_1 = arith.constant 0 : i32
    return %arg0, %c0_i32, %c0_i32_0 : i32, i32, i32
  }
}

</mosaic_0001>

<sc_bundles>
// kernel: kernel.4.cloned.1.call-start
scs
__scs_entry_jumppad:
0x0: {  	(pc) =	sbr.rel $0x88, $3  }
0x1: {  	(tag) =	ssettag $0x0;
	lr =	simm.s32 $0x1  }
0x2: {  	[smem:$0x3F9F] =	sst lr;
	_ =	strace $0xD0000000  }
0x3: {  	_ = 	snop  }
0x4: {  	_ = 	snop  }
0x5: {  	_ = 	snop  }
0x6: {  	_ = 	snop  }
0x7: {  	_ = 	snop  }
__scs_overlays_trampoline_lowered:
0x8: {  	[smem:$0x3FAE] =	sst s0  }
0x9: {  	[smem:$0x3FAF] =	sst s1  }
0xa: {  	[smem:$0x3FB0] =	sst s2  }
0xb: {  	[smem:$0x3FB1] =	sst s3  }
0xc: {  	[smem:$0x3FB2] =	sst s4  }
0xd: {  	[smem:$0x3FB3] =	sst s5  }
0xe: {  	[smem:$0x3FB4] =	sst s6  }
0xf: {  	[smem:$0x3FB5] =	sst s7  }
0x10: {  	[smem:$0x3FB6] =	sst s8  }
0x11: {  	[smem:$0x3FB7] =	sst s9;
	s0 =	simm.s32 @!p0 $0x0  }
0x12: {  	s1 =	sld [smem:$0x3F9D];
	s0 =	simm.s32 @p0 $0x1  }
0x13: {  	[smem:$0x3FB8] =	sst s0;
	s0 =	simm.s32 @!p1 $0x0  }
0x14: {  	s2 =	sld [smem:$0x3F9C];
	s0 =	simm.s32 @p1 $0x1  }
0x15: {  	[smem:$0x3FB9] =	sst s0;
	s0 =	simm.s32 @!p2 $0x0  }
0x16: {  	s3 =	sld [smem:$0x3FDB];
	s0 =	simm.s32 @p2 $0x1  }
0x17: {  	s4 =	simm.s32 $0x1BF5;
	[smem:$0x3FBB] =	sst s0  }
0x18: {  	s0 =	sld [smem:$0x3F9E];
	_ =	swait.ge [sflag:s4], $0x0  }
0x19: {  	s7 =	sld [smem:$0x3F9F]  }
0x1a: {  	s8 =	sadd.s32 $0xFFFFE003, lr  }
0x1b: {  	s9 =	sadd.s32 $0xFFFFFEF7, lr;
	s5 =	simm.s32 $0xFFFFFFFF;
	p2 =	slt.u32 s8, $0xFFFFF086  }
0x1c: {  	p1 =	slt.u32 s9, $0xF7A;
	s5 =	simm.s32 @!p2 $0x0  }
0x1d: {  	s5 =	simm.s32 @p1 $0x1;
	p0 =	seq.s32 s7, s2  }
0x1e: {  	s7 =	smul.u32 @!p0 $0xF7A, s2;
	p2 =	seq.s32 @!p0 s5, $0x0  }
0x1f: {  	s9 =	smul.u32 $0xF7A, s1;
	s8 =	simm.s32 @!p0 $0x1BF5;
	p2 =	por !p2, p0  }
0x20: {  	[sflag:s8] =	ssyncset.s32 @!p0 $0xFFFFF086;
	s6 =	sadd.s32 @!p0 s3, s7;
	s7 =	simm.s32 @!p0 $0x108  }
0x21: {  	s3 =	sadd.s32 s3, s9;
	s6 =	sadd.s32 @!p0 $0x88, s6;
	s7 =	simm.s32 @p2 $0x1082  }
0x22: {  	[simem:s7], [sflag:s8] =	dma.local @!p0 [hbm:s6], $0xF7A  }
0x23: {  	s9 =	sor.u32 $0xD0000000, s2;
	s6 =	simm.s32 $0x108;
	_ =	swait.ge @!p0 [sflag:s8], $0x0  }
0x24: {  	s3 =	sadd.s32 $0x88, s3;
	s6 =	simm.s32 @!p1 $0x1082;
	[sflag:s4] =	ssyncset.s32 $0xFFFFF086  }
0x25: {  	[simem:s6], [sflag:s4] =	dma.local [hbm:s3], $0xF7A  }
0x26: {  	[smem:$0x3F9F] =	sst s1;
	(tag) =	ssettag s2;
	_ =	strace s9  }
0x27: {  	s1 =	sld [smem:$0x3FAF]  }
0x28: {  	s2 =	sld [smem:$0x3FB0]  }
0x29: {  	s4 =	sld [smem:$0x3FB2]  }
0x2a: {  	p0 =	seq.s32 s5, $0x0;
	s5 =	sld [smem:$0x3FB3]  }
0x2b: {  	s6 =	sld [smem:$0x3FB4]  }
0x2c: {  	s7 =	sld [smem:$0x3FB5]  }
0x2d: {  	s3 =	simm.s32 $0x108;
	s8 =	sld [smem:$0x3FB6]  }
0x2e: {  	s3 =	simm.s32 @!p0 $0x1082;
	s9 =	sld [smem:$0x3FB7]  }
0x2f: {  	lr =	sadd.s32 s0, s3;
	s0 =	sld [smem:$0x3FAE]  }
0x30: {  	s3 =	sld [smem:$0x3FB1]  }
0x31: {  	[smem:$0x3FBA] =	sst s10  }
0x32: {  	s10 =	sld [smem:$0x3FB8];
	_ =	sdelay $0x3  }
0x33: {  	p0 =	seq.s32 s10, $0x1;
	s10 =	sld [smem:$0x3FBA];
	_ =	sdelay $0x3  }
0x34: {  	[smem:$0x3FBA] =	sst s10  }
0x35: {  	s10 =	sld [smem:$0x3FB9];
	_ =	sdelay $0x3  }
0x36: {  	p1 =	seq.s32 s10, $0x1;
	s10 =	sld [smem:$0x3FBA];
	_ =	sdelay $0x3  }
0x37: {  	[smem:$0x3FBA] =	sst s10  }
0x38: {  	s10 =	sld [smem:$0x3FBB]  }
0x39: {  	_ = 	snop;
	(pc) =	sbr.ind lr, $3  }
0x3a: {  	_ = 	snop  }
0x3b: {  	_ = 	snop  }
0x3c: {  	p2 =	seq.s32 s10, $0x1;
	s10 =	sld [smem:$0x3FBA]  }
0x3d: {  	_ =	shalt  }
0x3e: {  	_ =	shalt  }
0x3f: {  	_ =	shalt  }
0x40: {  	_ =	shalt  }
0x41: {  	_ =	shalt  }
0x42: {  	_ =	shalt  }
0x43: {  	_ =	shalt  }
0x44: {  	_ =	shalt  }
0x45: {  	_ =	shalt  }
0x46: {  	_ =	shalt  }
0x47: {  	_ =	shalt  }
0x48: {  	_ =	shalt  }
0x49: {  	_ =	shalt  }
0x4a: {  	_ =	shalt  }
0x4b: {  	_ =	shalt  }
0x4c: {  	_ =	shalt  }
0x4d: {  	_ =	shalt  }
0x4e: {  	_ =	shalt  }
0x4f: {  	_ =	shalt  }
0x50: {  	_ =	shalt  }
0x51: {  	_ =	shalt  }
0x52: {  	_ =	shalt  }
0x53: {  	_ =	shalt  }
0x54: {  	_ =	shalt  }
0x55: {  	_ =	shalt  }
0x56: {  	_ =	shalt  }
0x57: {  	_ =	shalt  }
0x58: {  	_ =	shalt  }
0x59: {  	_ =	shalt  }
0x5a: {  	_ =	shalt  }
0x5b: {  	_ =	shalt  }
0x5c: {  	_ =	shalt  }
0x5d: {  	_ =	shalt  }
0x5e: {  	_ =	shalt  }
0x5f: {  	_ =	shalt  }
0x60: {  	_ =	shalt  }
0x61: {  	_ =	shalt  }
0x62: {  	_ =	shalt  }
0x63: {  	_ =	shalt  }
0x64: {  	_ =	shalt  }
0x65: {  	_ =	shalt  }
0x66: {  	_ =	shalt  }
0x67: {  	_ =	shalt  }
0x68: {  	_ =	shalt  }
0x69: {  	_ =	shalt  }
0x6a: {  	_ =	shalt  }
0x6b: {  	_ =	shalt  }
0x6c: {  	_ =	shalt  }
0x6d: {  	_ =	shalt  }
0x6e: {  	_ =	shalt  }
0x6f: {  	_ =	shalt  }
0x70: {  	_ =	shalt  }
0x71: {  	_ =	shalt  }
0x72: {  	_ =	shalt  }
0x73: {  	_ =	shalt  }
0x74: {  	_ =	shalt  }
0x75: {  	_ =	shalt  }
0x76: {  	_ =	shalt  }
0x77: {  	_ =	shalt  }
0x78: {  	_ =	shalt  }
0x79: {  	_ =	shalt  }
0x7a: {  	_ =	shalt  }
0x7b: {  	_ =	shalt  }
0x7c: {  	_ =	shalt  }
0x7d: {  	_ =	shalt  }
0x7e: {  	_ =	shalt  }
0x7f: {  	_ =	shalt  }
0x80: {  	_ =	shalt  }
0x81: {  	_ =	shalt  }
0x82: {  	_ =	shalt  }
0x83: {  	_ =	shalt  }
0x84: {  	_ =	shalt  }
0x85: {  	_ =	shalt  }
0x86: {  	_ =	shalt  }
0x87: {  	_ =	shalt  }
.Lfunc_end0:
.L_simem_size_0:
called_computation.1_lowered:
.L_overlay_start_0:
0x88: {  	s2 =	sld [smem:$0x3FD9]  }
0x89: {  	s3 =	sld [smem:$0x3FFE];
	_ =	sdelay $0x1  }
0x8a: {  	s1 =	srdreg.scid  }
0x8b: {  	s0 =	sand.u32 $0x1, s1  }
0x8c: {  	s14 =	sshll.u32 s0, $0xA;
	s2 =	sadd.s32 s3, s2  }
0x8d: {  	s2 =	sadd.s32 s2, s14  }
0x8e: {  	[smem:$0x3FC6] =	sst s2  }
0x8f: {  	_ = 	snop  }
0x90: {  	s2 =	sld [smem:$0x3FD0];
	_ =	sdelay $0x2  }
0x91: {  	s15 =	simm.s32 $0xA;
	s4 =	simm.s32 $0x10  }
0x92: {  	[smem:s4], [sflag:s15] =	dma.local [hbm:s2], $0x1  }
0x93: {  	_ =	swait.eq [sflag:s15], $0x1  }
0x94: {  	[sflag:s15] =	ssyncset.done $0x0  }
0x95: {  	s16 =	sld [smem:$0x10];
	[sflag:s15] =	ssyncadd.s32 $0xFFFFFFFF  }
0x96: {  	s17 =	sld [smem:$0x11];
	(tm) =	ssettm $0x1  }
0x97: {  	s18 =	sld [smem:$0x3FFB];
	_ =	sdelay $0x3  }
0x98: {  	_ =	strace s18  }
0x99: {  	s4 =	sld [smem:$0x3FFC];
	_ =	sdelay $0x3  }
0x9a: {  	_ =	strace s4  }
0x9b: {  	s4 =	sld [smem:$0x3FFD];
	_ =	sdelay $0x3  }
0x9c: {  	_ =	strace s4  }
0x9d: {  	_ =	strace $0x8FFFFFFF  }
0x9e: {  	s19 =	sld [smem:$0x3FDB];
	_ =	sdelay $0x1  }
0x9f: {  	s5 =	simm.s32 $_scs_section_size  }
0xa0: {  	s6 =	simm.s32 $_size__tile_overlayer_lowered;
	s7 =	simm.s32 $_tile_overlayer_lowered  }
0xa1: {  	s22 =	simm.s32 $0x1BFF;
	s21 =	sshll.u32 s7, $0x1;
	s4 =	sadd.s32 s5, s19  }
0xa2: {  	s8 =	simm.s32 $0x0;
	s20 =	sshll.u32 s6, $0x1;
	s6 =	sadd.s32 s21, s4  }
0xa3: {  	[timem:s8], [sflag:s22] =	dma.local [hbm:s6], s20  }
0xa4: {  	_ =	swait.ge [sflag:s22], s20  }
0xa5: {  	s5 =	ssub.s32 $0x0, s20;
	[sflag:s22] =	ssyncset.done $0x0  }
0xa6: {  	[sflag:s22] =	ssyncadd.s32 s5;
	_ =	sdelay $0x1  }
0xa7: {  	s23 =	simm.s32 $0x1B8B  }
0xa8: {  	_ =	swait.ge [sflag:s23], $0x1  }
0xa9: {  	[sflag:s23] =	ssyncset.done $0x0  }
0xaa: {  	s25 =	simm.s32 $0x1B8E;
	s24 =	sld [smem:$0x3FFE];
	[sflag:s23] =	ssyncadd.s32 $0xFFFFFFFF  }
0xab: {  	s26 =	simm.s32 $execute0_lowered;
	[smem:$0x3FD2] =	sst s25  }
0xac: {  	s6 =	sshll.u32 s26, $0x1;
	_ =	strace $0x80000046;
	[dreg:$0x1] =	wrdreg $0xFFFFFFFF  }
0xad: {  	s28 =	simm.s32 $_size_execute0_lowered;
	s4 =	sadd.s32 s4, s6;
	[dreg:$0x0] =	wrdreg $0x0  }
0xae: {  	s6 =	sshll.u32 s28, $0x1;
	[dreg:$0x2] =	wrdreg s4  }
0xaf: {  	[dreg:$0x3] =	wrdreg s6  }
0xb0: {  	[dreg:$0x4] =	wrdreg $0xC0  }
0xb1: {  	_ =	task [dreg:s8], $0x5FFFF  }
0xb2: {  	[dreg:$0x1] =	wrdreg $0xFFFFFFFF  }
0xb3: {  	[dreg:$0x0] =	wrdreg $0x60  }
0xb4: {  	[dreg:$0x2] =	wrdreg s17  }
0xb5: {  	[dreg:$0x3] =	wrdreg s24  }
0xb6: {  	[dreg:$0x4] =	wrdreg s16  }
0xb7: {  	[dreg:$0x5] =	wrdreg $0x9  }
0xb8: {  	_ =	task.clear_ibuf [dreg:s8], $0x6FFFF;
	_ =	strace $0x90000046  }
0xb9: {  	s29 =	simm.s32 $0x9;
	_ =	strace $0x80000048  }
0xba: {  	_ =	swait.ge [sflag:s29], $0x1  }
0xbb: {  	[sflag:s29] =	ssyncadd.s32 $0xFFFFFFFF  }
0xbc: {  	_ =	strace $0x90000048  }
0xbd: {  	_ =	sfence  }
0xbe: {  	s30 =	sld [smem:$0x0];
	_ =	sdelay $0x2  }
0xbf: {  	s31 =	sshll.u32 s1, $0xD;
	s1 =	sshrl.u32 s1, $0x2  }
0xc0: {  	s3 =	sand.u32 $0x4000, s31;
	s1 =	sadd.s32 s1, s30  }
0xc1: {  	s0 =	sor.u32 s3, s0;
	s1 =	sshll.u32 s1, $0x11  }
0xc2: {  	s0 =	sor.u32 s1, s0  }
0xc3: {  	s0 =	sadd.s32 $0x8F2B, s0  }
0xc4: {  	[sflag:s0] =	ssyncadd.remote.s32 $0x1  }
0xc5: {  	_ =	sfence.sel $0xFFFF  }
0xc6: {  	[dreg:$0x0] =	wrdreg $0xFFFFFFFF;
	(pc) =	sbr.abs _section_cstart, $3  }
0xc7: {  	[dreg:$0x1] =	wrdreg $0xFFFFFFFF  }
0xc8: {  	_ =	task.clear_ibuf [dreg:s8], $0x2FFFF;
	_ =	strace $0x9FFFFFFF  }
0xc9: {  	(tm) =	ssettm $0x7FFFFFFF  }
tec
execute0_lowered:
.L_overlay_start_1:
0x0: {  	(tag) =	ssettag $0x1  }
0x1: {  	s1 =	rddreg [dreg:$0x0]  }
0x2: {  	s4 =	rddreg [dreg:$0x1]  }
0x3: {  	s2 =	rddreg [dreg:$0x2]  }
0x4: {  	s0 =	rddreg [dreg:$0x3]  }
0x5: {  	s3 =	simm.s32 $0x0;
	s5 =	srdreg.scid;
	s9 =	simm.s32 $0x400  }
0x6: {  	s10 =	simm.s32 $0x1400;
	s11 =	simm.s32 $0x0;
	s6 =	sand.u32 $0x1, s5  }
0x7: {  	v0 =	vlaneseq.u32;
	[smem:$0x7FF] =	sst s3;
	s5 =	sadd.s32 $0xC00, s4;
	s7 =	ssub.s32 $0x2, s6  }
0x8: {  	s4 =	stileid.u32;
	v0 =	vmul.u32 $0x4, v0;
	_ =	strace $0x80000047;
	s8 =	sshrl.u32 s7, $0x1  }
0x9: {  	s31 =	sshll.u32 s4, $0x11;
	s6 =	sshll.u32 s6, $0x10;
	s7 =	ssub.s32 s7, s8  }
0xa: {  	s6 =	sor.u32 s6, s31;
	v1 =	vor.u32 $0x1, v0;
	v2 =	vor.u32 $0x2, v0;
	v3 =	vor.u32 $0x3, v0;
	s8 =	simm.s32 $0x1;
	s7 =	smax.u32 s7, $0x1  }
.LBB2_1:
0xb: {  	[tilespmem:s3], [sflag:$0x1] =	stream.linear.gather [hbm4b:s1+s3], $0x400, $0x38;
	[tilespmem:$0x5400] =	vst v63  }
0xc: {  	_ =	swait.ge [sflag:s8], $0x400  }
0xd: {  	[sflag:s8] =	ssyncset.done $0x0  }
0xe: {  	s12 =	simm.s32 $0x0;
	[sflag:s8] =	ssyncadd.s32 $0xFFFFFC00  }
.LBB2_2:
0xf: {  	s13 =	sshll.u32 s12, $0xC  }
0x10: {  	s13 =	sadd.s32 s6, s13  }
0x11: {  	s14 =	sshrl.u32 s13, $0x3  }
0x12: {  	s16 =	simm.s32 $0x0;
	s14 =	sadd.s32 s5, s14  }
0x13: {  	[tilespmem:s9], [sflag:$0x1] =	stream.linear.gather [hbm4b:s14+s16], $0x1000, $0x38;
	[tilespmem:$0x5400] =	vst v63  }
0x14: {  	_ =	swait.ge [sflag:s8], $0x1000  }
0x15: {  	[sflag:s8] =	ssyncset.done $0x0  }
0x16: {  	s31 =	simm.s32 $0x0;
	[sflag:s8] =	ssyncadd.s32 $0xFFFFF000  }
0x17: {  	v4 =	vld [tilespmem:s31+$0x400];
	_ =	sdelay $0x4  }
0x18: {  	v4 =	vshll.u32 v4, $0x2;
	_ =	sdelay $0x4  }
0x19: {  	v6 =	vor.u32 s16, v0;
	v5 =	vld.idx.msk [tilespmem:v4+s3+$0x0], $0xffff  }
0x1a: {  	v7 =	vor.u32 $0x1, v4;
	_ =	sdelay $0x3  }
0x1b: {  	[tilespmem:v6+s10+$0x0] =	vst.idx.msk $0xffff, v5  }
0x1c: {  	v6 =	vor.u32 s16, v1;
	v5 =	vld.idx.msk [tilespmem:v7+s3+$0x0], $0xffff  }
0x1d: {  	v7 =	vor.u32 $0x2, v4;
	_ =	sdelay $0x3  }
0x1e: {  	[tilespmem:v6+s10+$0x0] =	vst.idx.msk $0xffff, v5  }
0x1f: {  	v6 =	vor.u32 s16, v2;
	v5 =	vld.idx.msk [tilespmem:v7+s3+$0x0], $0xffff  }
0x20: {  	v4 =	vor.u32 $0x3, v4;
	_ =	sdelay $0x3  }
0x21: {  	[tilespmem:v6+s10+$0x0] =	vst.idx.msk $0xffff, v5  }
0x22: {  	s15 =	simm.s32 $0x80;
	s14 =	simm.s32 $0x40;
	v5 =	vor.u32 s16, v3;
	v4 =	vld.idx.msk [tilespmem:v4+s3+$0x0], $0xffff  }
.LBB2_3:
0x23: {  	_ =	sdelay $0x2  }
0x24: {  	p0 =	sne.s32 s15, $0x3FC0  }
0x25: {  	s16 =	sshra.s32 s14, $0x2;
	s17 =	smov.u32 s15;
	s15 =	sadd.s32 $0x40, s15;
	[tilespmem:v5+s10+$0x0] =	vst.idx.msk $0xffff, v4  }
0x26: {  	v4 =	vld [tilespmem:s16+$0x400];
	_ =	sdelay $0x4  }
0x27: {  	v4 =	vshll.u32 v4, $0x2;
	_ =	sdelay $0x4  }
0x28: {  	v5 =	vld.idx.msk [tilespmem:v4+s3+$0x0], $0xffff  }
0x29: {  	v6 =	vor.u32 s14, v0  }
0x2a: {  	v7 =	vor.u32 $0x1, v4;
	_ =	sdelay $0x3  }
0x2b: {  	[tilespmem:v6+s10+$0x0] =	vst.idx.msk $0xffff, v5  }
0x2c: {  	v5 =	vld.idx.msk [tilespmem:v7+s3+$0x0], $0xffff  }
0x2d: {  	v6 =	vor.u32 s14, v1  }
0x2e: {  	v7 =	vor.u32 $0x2, v4;
	_ =	sdelay $0x3  }
0x2f: {  	[tilespmem:v6+s10+$0x0] =	vst.idx.msk $0xffff, v5  }
0x30: {  	v5 =	vld.idx.msk [tilespmem:v7+s3+$0x0], $0xffff  }
0x31: {  	v6 =	vor.u32 s14, v2  }
0x32: {  	v4 =	vor.u32 $0x3, v4;
	_ =	sdelay $0x1  }
.Ltmp0:
0x33: {  	(pc) =	sbr.rel @p0 .LBB2_3-.Ltmp0, $4  }
0x34: {  	_ = 	snop  }
0x35: {  	[tilespmem:v6+s10+$0x0] =	vst.idx.msk $0xffff, v5  }
0x36: {  	v4 =	vld.idx.msk [tilespmem:v4+s3+$0x0], $0xffff  }
0x37: {  	v5 =	vor.u32 s14, v3;
	s14 =	smov.u32 s17  }
0x38: {  	_ =	sdelay $0x3  }
0x39: {  	s15 =	sshra.s32 s14, $0x2;
	[tilespmem:v5+s10+$0x0] =	vst.idx.msk $0xffff, v4  }
0x3a: {  	v4 =	vld [tilespmem:s15+$0x400];
	_ =	sdelay $0x4  }
0x3b: {  	v4 =	vshll.u32 v4, $0x2;
	_ =	sdelay $0x4  }
0x3c: {  	v6 =	vor.u32 s14, v0;
	v5 =	vld.idx.msk [tilespmem:v4+s3+$0x0], $0xffff  }
0x3d: {  	v7 =	vor.u32 $0x1, v4;
	_ =	sdelay $0x3  }
0x3e: {  	[tilespmem:v6+s10+$0x0] =	vst.idx.msk $0xffff, v5  }
0x3f: {  	v61 =	vor.u32 s14, v1;
	v5 =	vld.idx.msk [tilespmem:v7+s3+$0x0], $0xffff  }
0x40: {  	v62 =	vor.u32 $0x2, v4;
	_ =	sdelay $0x3  }
0x41: {  	[tilespmem:v61+s10+$0x0] =	vst.idx.msk $0xffff, v5  }
0x42: {  	v63 =	vor.u32 s14, v2;
	v5 =	vld.idx.msk [tilespmem:v62+s3+$0x0], $0xffff  }
0x43: {  	v4 =	vor.u32 $0x3, v4;
	_ =	sdelay $0x3  }
0x44: {  	[tilespmem:v63+s10+$0x0] =	vst.idx.msk $0xffff, v5  }
0x45: {  	v5 =	vor.u32 s14, v3;
	v4 =	vld.idx.msk [tilespmem:v4+s3+$0x0], $0xffff;
	_ =	sdelay $0x2  }
0x46: {  	s12 =	sadd.s32 $0x1, s12  }
0x47: {  	s13 =	sshrl.u32 s13, $0x1;
	p0 =	sne.s32 s12, $0x10  }
.Ltmp1:
0x48: {  	s13 =	sadd.s32 s2, s13;
	[tilespmem:v5+s10+$0x0] =	vst.idx.msk $0xffff, v4;
	(pc) =	sbr.rel @p0 .LBB2_2-.Ltmp1, $4  }
0x49: {  	[hbm4b:s13+s3] =	stream.linear.scatter [tilespmem:s10], [sflag:$0x1], $0x4000, $0x38;
	[tilespmem:$0x5400] =	vst v63  }
0x4a: {  	_ =	swait.ge [sflag:s8], $0x4000  }
0x4b: {  	[sflag:s8] =	ssyncset.done $0x0  }
0x4c: {  	[sflag:s8] =	ssyncadd.s32 $0xFFFFC000  }
0x4d: {  	s11 =	sadd.s32 $0x1, s11  }
0x4e: {  	p0 =	sne.s32 s11, s7  }
.Ltmp2:
0x4f: {  	_ = 	snop;
	(pc) =	sbr.rel @p0 .LBB2_1-.Ltmp2, $1  }
0x50: {  	_ =	sdelay $0x3  }
0x51: {  	_ =	sfence.sel $0x180000  }
0x52: {  	[bflag:$0x0] =	sbarrier.arrive $0xFFFF  }
0x53: {  	p0 =	sne.s32 s4, $0x0;
	_ =	strace $0x90000047  }
0x54: {  	s0 =	sadd.s32 @!p0 $0x100000, s0;
	[bflag:$0x2] =	sbarrier.arrive $0xFFFF  }
0x55: {  	[sflag:s0] =	ssyncadd.tile.s32 @!p0 $0x1;
	_ =	shalt  }
.Lfunc_end2:
_tile_overlayer_lowered:
.L_overlay_start_2:
0x56: {  	(tag) =	ssettag $0x2  }
0x57: {  	s0 =	rddreg [dreg:$0x0];
	s2 =	stileid.u32  }
0x58: {  	s1 =	rddreg [dreg:$0x1];
	p0 =	sne.s32 s2, $0x0  }
0x59: {  	s3 =	rddreg [dreg:$0x2];
	[bflag:$0x3] =	sbarrier.arrive $0xFFFF;
	s2 =	simm.s32 @!p0 $0x1C01  }
0x5a: {  	[timem:s3], [sflag:s2] =	dma.local @!p0 [hbm:s0], s1  }
0x5b: {  	s0 =	simm.s32 @!p0 $0x1  }
0x5c: {  	_ =	swait.ge @!p0 [sflag:s0], s1  }
0x5d: {  	s1 =	ssub.s32 @!p0 $0x0, s1;
	[sflag:s0] =	ssyncset.done @!p0 $0x0  }
0x5e: {  	[sflag:s0] =	ssyncadd.s32 @!p0 s1  }
0x5f: {  	[bflag:$0x3] =	sbarrier.arrive $0xFFFF  }
0x60: {  	_ =	shalt  }

// kernel: sparse-core-data-format-call.cloned.1.call-start
scs
called_computation_lowered:
.L_overlay_start_0:
0x0: {  	s2 =	sld [smem:$0x3FD9]  }
0x1: {  	s3 =	sld [smem:$0x3FFE];
	_ =	sdelay $0x1  }
0x2: {  	s1 =	srdreg.scid  }
0x3: {  	s0 =	sand.u32 $0x1, s1  }
0x4: {  	s15 =	sshll.u32 s0, $0xA;
	s2 =	sadd.s32 s3, s2  }
0x5: {  	s2 =	sadd.s32 s2, s15  }
0x6: {  	[smem:$0x3FC6] =	sst s2  }
0x7: {  	_ = 	snop  }
0x8: {  	s2 =	sld [smem:$0x3FD0];
	_ =	sdelay $0x2  }
0x9: {  	s16 =	simm.s32 $0xA;
	s4 =	simm.s32 $0x10  }
0xa: {  	[smem:s4], [sflag:s16] =	dma.local [hbm:s2], $0x1  }
0xb: {  	_ =	swait.eq [sflag:s16], $0x1  }
0xc: {  	[sflag:s16] =	ssyncset.done $0x0  }
0xd: {  	[sflag:s16] =	ssyncadd.s32 $0xFFFFFFFF  }
0xe: {  	s17 =	sld [smem:$0x10];
	(tm) =	ssettm $0x1  }
0xf: {  	s18 =	sld [smem:$0x3FFB];
	_ =	sdelay $0x3  }
0x10: {  	_ =	strace s18  }
0x11: {  	s3 =	sld [smem:$0x3FFC];
	_ =	sdelay $0x3  }
0x12: {  	_ =	strace s3  }
0x13: {  	s3 =	sld [smem:$0x3FFD];
	_ =	sdelay $0x3  }
0x14: {  	_ =	strace s3  }
0x15: {  	_ =	strace $0x8FFFFFFF  }
0x16: {  	s19 =	sld [smem:$0x3FDB];
	_ =	sdelay $0x1  }
0x17: {  	s20 =	simm.s32 $_scs_section_size  }
0x18: {  	s5 =	simm.s32 $_size__tile_overlayer_lowered;
	s6 =	simm.s32 $_tile_overlayer_lowered  }
0x19: {  	s23 =	simm.s32 $0x1BFF;
	s22 =	sshll.u32 s6, $0x1;
	s3 =	sadd.s32 s20, s19  }
0x1a: {  	s7 =	simm.s32 $0x0;
	s21 =	sshll.u32 s5, $0x1;
	s5 =	sadd.s32 s22, s3  }
0x1b: {  	[timem:s7], [sflag:s23] =	dma.local [hbm:s5], s21  }
0x1c: {  	_ =	swait.ge [sflag:s23], s21  }
0x1d: {  	s4 =	ssub.s32 $0x0, s21;
	[sflag:s23] =	ssyncset.done $0x0  }
0x1e: {  	[sflag:s23] =	ssyncadd.s32 s4;
	_ =	sdelay $0x1  }
0x1f: {  	s24 =	simm.s32 $0x1B8B  }
0x20: {  	_ =	swait.ge [sflag:s24], $0x1  }
0x21: {  	[sflag:s24] =	ssyncset.done $0x0  }
0x22: {  	s26 =	simm.s32 $0x1B8E;
	s25 =	sld [smem:$0x3FFE];
	[sflag:s24] =	ssyncadd.s32 $0xFFFFFFFF  }
0x23: {  	s27 =	simm.s32 $execute0_lowered;
	[smem:$0x3FD2] =	sst s26  }
0x24: {  	s5 =	sshll.u32 s27, $0x1;
	_ =	strace $0x80000049;
	[dreg:$0x1] =	wrdreg $0xFFFFFFFF  }
0x25: {  	s28 =	simm.s32 $_size_execute0_lowered;
	s3 =	sadd.s32 s3, s5;
	[dreg:$0x0] =	wrdreg $0x0  }
0x26: {  	s5 =	sshll.u32 s28, $0x1;
	[dreg:$0x2] =	wrdreg s3  }
0x27: {  	[dreg:$0x3] =	wrdreg s5  }
0x28: {  	[dreg:$0x4] =	wrdreg $0xC0  }
0x29: {  	_ =	task [dreg:s7], $0x5FFFF  }
0x2a: {  	[dreg:$0x1] =	wrdreg $0xFFFFFFFF  }
0x2b: {  	[dreg:$0x0] =	wrdreg $0x60  }
0x2c: {  	[dreg:$0x2] =	wrdreg s25  }
0x2d: {  	[dreg:$0x3] =	wrdreg s17  }
0x2e: {  	[dreg:$0x4] =	wrdreg $0x9  }
0x2f: {  	_ =	task.clear_ibuf [dreg:s7], $0x5FFFF;
	_ =	strace $0x90000049  }
0x30: {  	s29 =	simm.s32 $0x9;
	_ =	strace $0x8000004B  }
0x31: {  	_ =	swait.ge [sflag:s29], $0x1  }
0x32: {  	[sflag:s29] =	ssyncadd.s32 $0xFFFFFFFF  }
0x33: {  	_ =	strace $0x9000004B  }
0x34: {  	_ =	sfence  }
0x35: {  	s30 =	sld [smem:$0x0];
	_ =	sdelay $0x2  }
0x36: {  	s31 =	sshll.u32 s1, $0xD;
	s1 =	sshrl.u32 s1, $0x2  }
0x37: {  	s3 =	sand.u32 $0x4000, s31;
	s1 =	sadd.s32 s1, s30  }
0x38: {  	s0 =	sor.u32 s3, s0;
	s1 =	sshll.u32 s1, $0x11  }
0x39: {  	s0 =	sor.u32 s1, s0  }
0x3a: {  	s0 =	sadd.s32 $0x8F2B, s0  }
0x3b: {  	[sflag:s0] =	ssyncadd.remote.s32 $0x1  }
0x3c: {  	_ =	sfence.sel $0xFFFF  }
0x3d: {  	[dreg:$0x0] =	wrdreg $0xFFFFFFFF;
	(pc) =	sbr.abs _section_cstart, $3  }
0x3e: {  	[dreg:$0x1] =	wrdreg $0xFFFFFFFF  }
0x3f: {  	_ =	task.clear_ibuf [dreg:s7], $0x2FFFF;
	_ =	strace $0x9FFFFFFF  }
0x40: {  	(tm) =	ssettm $0x7FFFFFFF  }
0x41: {  	_ =	shalt  }
tec
execute0_lowered:
.L_overlay_start_1:
0x0: {  	(tag) =	ssettag $0x1  }
0x1: {  	s0 =	srdreg.scid  }
0x2: {  	s5 =	rddreg [dreg:$0x0];
	s1 =	sshll.u32 s0, $0x4  }
0x3: {  	s2 =	rddreg [dreg:$0x1];
	s0 =	stileid.u32;
	s1 =	sand.u32 $0x10, s1  }
0x4: {  	s4 =	simm.s32 $0x1;
	s8 =	simm.s32 $0x2;
	s1 =	sor.u32 s0, s1  }
0x5: {  	s12 =	simm.s32 $0x0;
	s9 =	simm.s32 $0x0;
	s3 =	sshll.u32 s1, $0x7  }
0x6: {  	s11 =	simm.s32 $0x0;
	s5 =	sadd.s32 $0x40C00, s5;
	s6 =	ssub.s32 $0x200000, s3  }
.Ltmp0:
0x7: {  	s1 =	rddreg [dreg:$0x2];
	s7 =	sand.u32 $0xF80, s6;
	(pc) =	sbr.rel .LBB1_1-.Ltmp0, $4  }
0x8: {  	_ =	strace $0x8000004A;
	p0 =	sne.s32 s7, $0x0;
	s7 =	simm.s32 $0x1  }
0x9: {  	[sflag:s4] =	ssyncpa.u1 $0x0;
	s6 =	sshrl.u32 s6, $0xC;
	s7 =	simm.s32 @!p0 $0x0  }
0xa: {  	s10 =	smov.u32 s3;
	[sflag:s8] =	ssyncpa.u1 $0x0;
	s6 =	sadd.s32 s7, s6  }
0xb: {  	s8 =	simm.s32 $0x800000;
	p0 =	por $0x0, $0x0;
	s7 =	sadd.s32 $0x1, s6  }
.LBB1_4:
0xc: {  	p1 =	sgt.s32 s9, $0x1FFF80;
	s15 =	smov.u32 s9;
	s16 =	sshra.s32 s9, $0x1F  }
0xd: {  	s15 =	simm.s32 @!p1 $0x1FFF80;
	s16 =	sand.u32 s16, s9  }
0xe: {  	s15 =	ssub.s32 s15, s16  }
0xf: {  	s28 =	sand.u32 $0x78, s9;
	s17 =	sshll.u32 s9, $0x2;
	s15 =	sadd.s32 $0xFFE00080, s15  }
0x10: {  	s17 =	sand.u32 $0x7FFE00, s17;
	p1 =	sgt.s32 s15, $0x7F;
	s15 =	sshll.u32 s15, $0x4  }
0x11: {  	s29 =	sand.u32 $0x7, s9;
	s16 =	sor.u32 s28, s17;
	s15 =	ssub.s32 $0x800, s15  }
0x12: {  	s17 =	sshll.u32 s29, $0x12;
	s16 =	sshrl.u32 s16, $0x3;
	s15 =	sshrl.u32 s15, $0x2  }
0x13: {  	[tilespmem:s14+$0x0 ss:$0x81] =	vst.msk $0xffff, v0;
	s31 =	sor.u32 $0x200, s17;
	s30 =	sadd.s32 s2, s16;
	s15 =	simm.s32 @p1 $0x0  }
0x14: {  	[hbm4b:s30+s31] =	stream.strided.scatter [tilespmem:s13], [sflag:$0x2], s15, s8, s31, $0x20;
	[tilespmem:$0x4040] =	vst v63  }
.LBB1_5:
0x15: {  	p1 =	slt.u32 s11, $0x2  }
0x16: {  	p2 =	sgt.s32 @!p1 s12, $0x1FFF80  }
0x17: {  	s13 =	smov.u32 s12;
	s14 =	sshra.s32 @!p1 s12, $0x1F;
	p2 =	por !p2, p1  }
0x18: {  	s12 =	sand.u32 @!p1 s14, s12;
	s13 =	simm.s32 @p2 $0x1FFF80  }
0x19: {  	s12 =	ssub.s32 @!p1 s13, s12  }
0x1a: {  	s12 =	sadd.s32 @!p1 $0xFFE00080, s12  }
0x1b: {  	s13 =	sshll.u32 @!p1 s12, $0x4  }
0x1c: {  	p2 =	sgt.s32 @!p1 s12, $0x7F;
	s12 =	ssub.s32 @!p1 $0x800, s13  }
0x1d: {  	s14 =	sadd.s32 $0x1000, s10;
	p2 =	por !p2, p1;
	s12 =	sshrl.u32 @!p1 s12, $0x2  }
0x1e: {  	s12 =	simm.s32 @!p2 $0x0;
	p2 =	sgt.s32 s14, $0x1FFFFF  }
0x1f: {  	s14 =	smov.u32 @p2 s3;
	p2 =	sne.s32 s11, s7  }
.Ltmp1:
0x20: {  	_ = 	snop;
	(pc) =	sbr.rel @!p2 .LBB1_6-.Ltmp1, $4  }
0x21: {  	s13 =	simm.s32 @!p1 $0x2  }
0x22: {  	p0 =	por !p0, !p0;
	_ =	swait.ge @!p1 [sflag:s13], s12;
	s15 =	ssub.s32 @!p1 $0x0, s12  }
0x23: {  	s12 =	smov.u32 s9;
	s11 =	sadd.s32 $0x1, s11;
	[sflag:s13] =	ssyncset.done @!p1 $0x0  }
0x24: {  	s9 =	smov.u32 s10;
	s10 =	smov.u32 s14;
	[sflag:s13] =	ssyncadd.s32 @!p1 s15  }
.LBB1_1:
0x25: {  	p1 =	sge.u32 s11, s6  }
0x26: {  	s31 =	sadd.s32 $0xFFFFFFFF, s11;
	s13 =	sxor.u32 @!p1 $0xFFFFFFFF, s11;
	s14 =	sshll.u32 @!p1 s10, $0x4  }
0x27: {  	s15 =	simm.s32 @!p1 $0x20;
	s13 =	sshll.u32 @!p1 s13, $0xC;
	s14 =	sand.u32 @!p1 $0x1FFFFF0, s14  }
0x28: {  	s16 =	simm.s32 @!p1 $0x80;
	s13 =	sand.u32 @!p1 $0x1000, s13;
	s14 =	sadd.s32 @!p1 s5, s14  }
0x29: {  	[tilespmem:s13], [sflag:$0x1] =	stream.strided.gather @!p1 [hbm4b:s14+s15], $0x1000, s16, s15, $0x38;
	[tilespmem:$0x4040] =	vst v63  }
0x2a: {  	p1 =	sge.u32 s31, s6  }
.Ltmp2:
0x2b: {  	_ = 	snop;
	(pc) =	sbr.rel @p1 .LBB1_5-.Ltmp2, $1  }
0x2c: {  	_ =	sdelay $0x3  }
0x2d: {  	s13 =	simm.s32 $0x1  }
0x2e: {  	_ =	swait.ge [sflag:s4], $0x1000;
	s13 =	simm.s32 @!p0 $0x0  }
0x2f: {  	[sflag:s4] =	ssyncset.done $0x0;
	s14 =	sshll.u32 s13, $0xC  }
0x30: {  	[sflag:s4] =	ssyncadd.s32 $0xFFFFF000;
	s17 =	sor.u32 $0x10, s14  }
0x31: {  	s13 =	smul.u32 $0x4080, s13;
	v1 =	vld [tilespmem:s17+$0x0]  }
0x32: {  	s30 =	sand.u32 $0x1, s11;
	v0 =	vld [tilespmem:s17+$0xFFFFFFF0]  }
0x33: {  	s14 =	smul.u32 $0x4080, s30;
	s13 =	sshrl.u32 s13, $0x2  }
0x34: {  	s15 =	sor.u32 $0x2000, s13  }
0x35: {  	s31 =	sshrl.u32 s14, $0x2;
	s14 =	sadd.s32 $0x0, s15  }
0x36: {  	s16 =	simm.s32 $0x4;
	s17 =	sadd.s32 $0x20, s17;
	s13 =	sor.u32 $0x2000, s31;
	[tilespmem:s14+$0x810 ss:$0x81] =	vst.msk $0xffff, v1  }
.LBB1_3:
0x37: {  	v1 =	vld [tilespmem:s17+$0x0];
	p1 =	sne.s32 s16, $0x1FC;
	[tilespmem:s14+$0x0 ss:$0x81] =	vst.msk $0xffff, v0;
	s14 =	smov.u32 s16;
	s16 =	sadd.s32 $0x4, s16  }
.Ltmp3:
0x38: {  	v0 =	vld [tilespmem:s17+$0xFFFFFFF0];
	(pc) =	sbr.rel @p1 .LBB1_3-.Ltmp3, $4  }
0x39: {  	_ = 	snop  }
0x3a: {  	s14 =	sshra.s32 s14, $0x2  }
0x3b: {  	s14 =	sadd.s32 s14, s15  }
0x3c: {  	s17 =	sadd.s32 $0x20, s17;
	[tilespmem:s14+$0x810 ss:$0x81] =	vst.msk $0xffff, v1  }
.Ltmp4:
0x3d: {  	_ = 	snop;
	(pc) =	sbr.rel .LBB1_4-.Ltmp4, $1  }
0x3e: {  	_ =	sdelay $0x3  }
.LBB1_6:
0x3f: {  	_ =	sfence.sel $0x180000  }
0x40: {  	s2 =	simm.s32 $0x1;
	[bflag:$0x0] =	sbarrier.arrive $0xFFFF  }
0x41: {  	s31 =	simm.s32 $0x2;
	[sflag:s2] =	ssyncpa.u1 $0x1  }
0x42: {  	[sflag:s31] =	ssyncpa.u1 $0x1  }
0x43: {  	p0 =	sne.s32 s0, $0x0;
	_ =	strace $0x9000004A  }
0x44: {  	s0 =	sadd.s32 @!p0 $0x100000, s1;
	[bflag:$0x2] =	sbarrier.arrive $0xFFFF  }
0x45: {  	[sflag:s0] =	ssyncadd.tile.s32 @!p0 $0x1;
	_ =	shalt  }
.Lfunc_end1:
_tile_overlayer_lowered:
.L_overlay_start_2:
0x46: {  	(tag) =	ssettag $0x2  }
0x47: {  	s0 =	rddreg [dreg:$0x0];
	s2 =	stileid.u32  }
0x48: {  	s1 =	rddreg [dreg:$0x1];
	p0 =	sne.s32 s2, $0x0  }
0x49: {  	s3 =	rddreg [dreg:$0x2];
	[bflag:$0x3] =	sbarrier.arrive $0xFFFF;
	s2 =	simm.s32 @!p0 $0x1C01  }
0x4a: {  	[timem:s3], [sflag:s2] =	dma.local @!p0 [hbm:s0], s1  }
0x4b: {  	s0 =	simm.s32 @!p0 $0x1  }
0x4c: {  	_ =	swait.ge @!p0 [sflag:s0], s1  }
0x4d: {  	s1 =	ssub.s32 @!p0 $0x0, s1;
	[sflag:s0] =	ssyncset.done @!p0 $0x0  }
0x4e: {  	[sflag:s0] =	ssyncadd.s32 @!p0 s1  }
0x4f: {  	[bflag:$0x3] =	sbarrier.arrive $0xFFFF  }
0x50: {  	_ =	shalt  }

</sc_bundles>
